<compile_context>
chip_gen: v7x
topology: tpu7x:2x2x1
jax: 0.10.2.dev20260603
libtpu: 0.0.44.dev20260713+nightly
codegen_flags: <defaults>
</compile_context>

<pallas_src>
import functools

import jax
import jax.numpy as jnp
import numpy as np
from jax import lax
from jax.experimental import pallas as pl
from jax.experimental.pallas import tpu as pltpu
from jax.experimental.pallas import tpu_sc as plsc

NUM_CLASSES = 80
SCALE_RANGES = [(1.0, 96.0), (48.0, 512.0)]
SIGMA = 0.2
ALPHA = 0.25

_NS = 16
_NCAND = 432
_CPW = 27
_RING = 8


def _moments_bg_body(mask_ref, c0_ref, c1_ref, mom_ref, bg_ref):
    m = mask_ref[...]
    ys = jax.lax.broadcasted_iota(jnp.int32, (1, 256, 256), 1).astype(jnp.float32)
    xs = jax.lax.broadcasted_iota(jnp.int32, (1, 256, 256), 2).astype(jnp.float32)
    tot = jnp.sum(m, axis=(1, 2))
    sy = jnp.sum(m * ys, axis=(1, 2))
    sx = jnp.sum(m * xs, axis=(1, 2))
    lane = jax.lax.broadcasted_iota(jnp.int32, (48, 128), 1)
    mom_ref[...] = (tot[:, None] * (lane == 0) + sy[:, None] * (lane == 1)
                    + sx[:, None] * (lane == 2))

    def bg_sum(x):
        p = jnp.clip(jax.nn.sigmoid(x), 1e-6, 1.0 - 1e-6)
        return jnp.sum((1.0 - ALPHA) * p * p * (-jnp.log(1.0 - p)))

    tot_bg = bg_sum(c0_ref[...]) + bg_sum(c1_ref[...])
    lane1 = jax.lax.broadcasted_iota(jnp.int32, (1, 128), 1)
    bg_ref[...] = jnp.where(lane1 == 0, tot_bg, 0.0)


def _sc_cate_body(cf0, cf1, cidx, out_cate, cidx_v, cate_v, sem):
    cid = lax.axis_index("c")
    sid = lax.axis_index("s")
    pltpu.sync_copy(cidx.at[cid, sid], cidx_v)

    @pl.when(cid == 0)
    def _():
        pltpu.async_copy(cf0.at[cidx_v], cate_v, sem).wait()

    @pl.when(cid == 1)
    def _():
        pltpu.async_copy(cf1.at[cidx_v], cate_v, sem).wait()

    base = cid * (_NS * 32) + sid * 32
    pltpu.sync_copy(cate_v, out_cate.at[pl.ds(base, 32)])


def _sc_cate_call(cf0r, cf1r, cidx):
    mesh = plsc.VectorSubcoreMesh(core_axis_name="c", subcore_axis_name="s")
    f = functools.partial(
        pl.kernel,
        mesh=mesh,
        out_type=jax.ShapeDtypeStruct((1024, 128), jnp.float32),
        scratch_types=[
            pltpu.VMEM((32,), jnp.int32),
            pltpu.VMEM((32, 128), jnp.float32),
            pltpu.SemaphoreType.DMA,
        ],
    )(_sc_cate_body)
    return f(cf0r, cf1r, cidx)


def _dice_body(b_s, rs_s, cs_s, drp_s, dcp_s, win_s,
               mp_ref, dm_ref, out_ref, buf_ref, sem_ref):
    def issue(k, slot):
        pltpu.make_async_copy(
            mp_ref.at[b_s[k], pl.ds(rs_s[k], 3), pl.ds(cs_s[k], 3)],
            buf_ref.at[slot], sem_ref.at[slot]).start()

    for r in range(_RING):
        issue(r, r)

    lane = jax.lax.broadcasted_iota(jnp.int32, (1, 128), 1)

    def step(k, acc):
        slot = lax.rem(k, _RING)
        pltpu.make_async_copy(
            mp_ref.at[b_s[k], pl.ds(rs_s[k], 3), pl.ds(cs_s[k], 3)],
            buf_ref.at[slot], sem_ref.at[slot]).wait()
        t = dm_ref[k]
        c2 = jnp.sum(t * t) + 1e-4
        for q in range(9):
            i = k * 9 + q
            x = buf_ref[slot, drp_s[i], dcp_s[i]]
            p = jax.nn.sigmoid(x)
            a = jnp.sum(p * t)
            b = jnp.sum(p * p) + 1e-4
            w = (win_s[i] > 0).astype(jnp.float32)
            acc = (acc + (w * (1.0 - 2.0 * a / (b + c2))) * (lane == 0)
                   + w * (lane == 1))

        @pl.when(k + _RING < 48)
        def _():
            issue(k + _RING, slot)

        return acc

    acc = lax.fori_loop(0, 48, step, jnp.zeros((1, 128), jnp.float32))
    out_ref[...] = acc


def _dice_call(g5, dmask, b48, rstart, cstart, drp, dcp, winner):
    wini = winner.astype(jnp.int32)
    grid_spec = pltpu.PrefetchScalarGridSpec(
        num_scalar_prefetch=6,
        grid=(1,),
        in_specs=[
            pl.BlockSpec(memory_space=pl.ANY),
            pl.BlockSpec((48, 64, 64),
                         lambda g, *_: (0, 0, 0)),
        ],
        out_specs=pl.BlockSpec((1, 128), lambda g, *_: (0, 0)),
        scratch_shapes=[
            pltpu.VMEM((_RING, 3, 3, 64, 64), jnp.float32),
            pltpu.SemaphoreType.DMA((_RING,)),
        ],
    )
    return pl.pallas_call(
        _dice_body,
        grid_spec=grid_spec,
        out_shape=jax.ShapeDtypeStruct((1, 128), jnp.float32),
    )(b48, rstart, cstart, drp, dcp, wini, g5, dmask)


def _finish_body(d0_ref, d1_ref, cate_ref, cm_ref, w_ref, bg_ref, out_ref):
    lmask_sum = d0_ref[0, 0] + d1_ref[0, 0]
    nm = d0_ref[0, 1] + d1_ref[0, 1]

    rowi = jax.lax.broadcasted_iota(jnp.int32, (1024, 1), 0)
    keep = (rowi % 32) < _CPW
    w = w_ref[...]
    x1 = jnp.sum(cate_ref[...] * cm_ref[...], axis=1, keepdims=True)
    p1 = jnp.clip(jax.nn.sigmoid(x1), 1e-6, 1.0 - 1e-6)
    corr = (ALPHA * (1.0 - p1) * (1.0 - p1) * (-jnp.log(p1))
            - (1.0 - ALPHA) * p1 * p1 * (-jnp.log(1.0 - p1)))
    corr_sum = jnp.sum(jnp.where(keep, w * corr, 0.0))

    bgv = bg_ref[0, 0]
    lcls = (bgv + corr_sum) / (nm + 1.0)
    lmask = lmask_sum / nm * 3.0
    loss = lcls + lmask
    lane = jax.lax.broadcasted_iota(jnp.int32, (1, 128), 1)
    out_ref[...] = (loss * (lane == 0) + lcls * (lane == 1)
                    + lmask * (lane == 2))


def _scale_indices(target, chs, cws, ng, lo, hi):
    garea = jnp.sqrt(target[:, 4] * target[:, 5])
    half_ws = 0.5 * target[:, 4] * SIGMA
    half_hs = 0.5 * target[:, 5] * SIGMA
    j = (garea >= lo) & (garea <= hi)
    coord_ws = (cws / 256 * ng).astype(jnp.int32)
    coord_hs = (chs / 256 * ng).astype(jnp.int32)
    top_box = jnp.clip(((chs - half_hs) / 256 * ng).astype(jnp.int32), 0, None)
    down_box = jnp.clip(((chs + half_hs) / 256 * ng).astype(jnp.int32), None, ng - 1)
    left_box = jnp.clip(((cws - half_ws) / 256 * ng).astype(jnp.int32), 0, None)
    right_box = jnp.clip(((cws + half_ws) / 256 * ng).astype(jnp.int32), None, ng - 1)
    top = jnp.maximum(top_box, coord_hs - 1)
    down = jnp.minimum(down_box, coord_hs + 1)
    left = jnp.maximum(coord_ws - 1, left_box)
    right = jnp.minimum(right_box, coord_ws + 1)
    off_r = jnp.arange(3)[None, :, None]
    off_c = jnp.arange(3)[None, None, :]
    rr = top[:, None, None] + off_r
    cc = left[:, None, None] + off_c
    valid = (j[:, None, None] & (rr <= down[:, None, None])
             & (cc <= right[:, None, None])).reshape(-1)
    cell = (rr * ng + cc).reshape(-1)
    b = target[:, 0].astype(jnp.int32)
    c = target[:, 1].astype(jnp.int32)
    bid = jnp.repeat(b, 9)
    cvals = jnp.repeat(c, 9)
    flat = bid * (ng * ng) + cell
    order = jnp.arange(flat.shape[0])
    later = ((flat[None, :] == flat[:, None]) & valid[None, :]
             & (order[None, :] > order[:, None]))
    winner = valid & ~later.any(1)
    rstart = jnp.clip(top, 0, ng - 3)
    cstart = jnp.clip(left, 0, ng - 3)
    drp = jnp.clip(jnp.broadcast_to(rr - rstart[:, None, None], (48, 3, 3)),
                   0, 2).reshape(-1)
    dcp = jnp.clip(jnp.broadcast_to(cc - cstart[:, None, None], (48, 3, 3)),
                   0, 2).reshape(-1)
    return bid, cell, cvals, winner, rstart, cstart, drp, dcp


def kernel(mask_preds0, mask_preds1, cate_preds0, cate_preds1, target, mask):
    B = cate_preds0.shape[0]
    mom, bg = pl.pallas_call(
        _moments_bg_body,
        out_shape=[
            jax.ShapeDtypeStruct((48, 128), jnp.float32),
            jax.ShapeDtypeStruct((1, 128), jnp.float32),
        ],
    )(mask, cate_preds0, cate_preds1)
    tot = mom[:, 0] + 1e-6
    chs = mom[:, 1] / tot
    cws = mom[:, 2] / tot

    dmask = mask[:, ::4, ::4]
    cf0r = cate_preds0.reshape(-1, 128)
    cf1r = cate_preds1.reshape(-1, 128)
    kidx = jnp.asarray(np.repeat(np.arange(48), 9), jnp.int32)

    cidx_list, cm_list, w_list, dice_outs = [], [], [], []
    for i, (mp, ng) in enumerate([(mask_preds0, 40), (mask_preds1, 36)]):
        lo, hi = SCALE_RANGES[i]
        bid, cell, cvals, winner, rstart, cstart, drp, dcp = _scale_indices(
            target, chs, cws, ng, lo, hi)
        bi = jnp.clip(bid, 0, B - 1)
        ci = jnp.clip(cell, 0, ng * ng - 1)
        cls = jnp.clip(cvals - 1, 0, NUM_CLASSES - 1)
        e = ((bi * NUM_CLASSES + cls) * ng + ci // ng) * ng + ci % ng
        cidx_list.append(jnp.pad((e // 128).reshape(_NS, _CPW), ((0, 0), (0, 5))))
        cm_list.append((e % 128).astype(jnp.int32))
        w_list.append(winner.astype(jnp.float32))
        g5 = mp.reshape(B, ng, ng, 64, 64)
        b48 = jnp.clip(target[:, 0].astype(jnp.int32), 0, B - 1)
        dice_outs.append(_dice_call(g5, dmask, b48, rstart, cstart,
                                    drp, dcp, winner))

    cidx = jnp.stack(cidx_list).astype(jnp.int32)
    lanes = jnp.pad(jnp.stack(cm_list).reshape(2, _NS, _CPW),
                    ((0, 0), (0, 0), (0, 5))).reshape(1024)
    cm = (lanes[:, None] == jnp.arange(128)[None, :]).astype(jnp.float32)
    w = jnp.pad(jnp.stack(w_list).reshape(2, _NS, _CPW),
                ((0, 0), (0, 0), (0, 5))).reshape(1024)[:, None]

    caterows = _sc_cate_call(cf0r, cf1r, cidx)

    out = pl.pallas_call(
        _finish_body,
        out_shape=jax.ShapeDtypeStruct((1, 128), jnp.float32),
    )(dice_outs[0], dice_outs[1], caterows, cm, w, bg)
    return out[0, 0], out[0, 1], out[0, 2]

# --- scband reference (transcript-rebuilt; emitter-appended) ---
"""Pipeline reference for scband-solo-loss-16733192585479 (READ-ONLY COPY).

The authoritative reference and input builder live on the scoring server;
editing this copy changes nothing except your own understanding.
"""

import jax, jax.numpy as jnp
import numpy as np

NUM_CLASSES = 80
SCALE_RANGES = [(1.0, 96.0), (48.0, 512.0)]
SIGMA = 0.2
GAMMA = 2.0
ALPHA = 0.25


def _resize_nearest(m, Hf, Wf):
    K, Hm, Wm = m.shape
    hi = np.floor(np.arange(Hf) * Hm / Hf).astype(np.int64)
    wi = np.floor(np.arange(Wf) * Wm / Wf).astype(np.int64)
    return m[:, hi][:, :, wi]


def _build_target(target, mask, num_grids):
    Hm, Wm = mask.shape[-2:]
    Ngt = target.shape[0]
    ys = jnp.arange(Hm, dtype=jnp.float32)[None, :, None]
    xs = jnp.arange(Wm, dtype=jnp.float32)[None, None, :]
    garea = jnp.sqrt(target[:, 4] * target[:, 5])
    half_ws = 0.5 * target[:, 4] * SIGMA
    half_hs = 0.5 * target[:, 5] * SIGMA
    tot = mask.sum((1, 2)) + 1e-6
    center_hs = (mask * ys).sum((1, 2)) / tot
    center_ws = (mask * xs).sum((1, 2)) / tot
    b = target[:, 0].astype(jnp.int32)
    c = target[:, 1].astype(jnp.int32)
    kidx = np.repeat(np.arange(Ngt), 9)
    off_r = jnp.arange(3)[None, :, None]
    off_c = jnp.arange(3)[None, None, :]
    indices = []
    for i, ng in enumerate(num_grids):
        lo, hi_r = SCALE_RANGES[i]
        j = (garea >= lo) & (garea <= hi_r)
        coord_ws = (center_ws / Wm * ng).astype(jnp.int32)
        coord_hs = (center_hs / Hm * ng).astype(jnp.int32)
        top_box = jnp.clip(((center_hs - half_hs) / Hm * ng).astype(jnp.int32), 0, None)
        down_box = jnp.clip(((center_hs + half_hs) / Hm * ng).astype(jnp.int32), None, ng - 1)
        left_box = jnp.clip(((center_ws - half_ws) / Wm * ng).astype(jnp.int32), 0, None)
        right_box = jnp.clip(((center_ws + half_ws) / Wm * ng).astype(jnp.int32), None, ng - 1)
        top = jnp.maximum(top_box, coord_hs - 1)
        down = jnp.minimum(down_box, coord_hs + 1)
        left = jnp.maximum(coord_ws - 1, left_box)
        right = jnp.minimum(right_box, coord_ws + 1)
        rr = top[:, None, None] + off_r
        cc = left[:, None, None] + off_c
        valid = (j[:, None, None] & (rr <= down[:, None, None]) & (cc <= right[:, None, None])).reshape(-1)
        cell = (rr * ng + cc).reshape(-1)
        bid = jnp.repeat(b, 9)
        cvals = jnp.repeat(c, 9)
        flat = bid * (ng * ng) + cell
        order = jnp.arange(flat.shape[0])
        later = (flat[None, :] == flat[:, None]) & valid[None, :] & (order[None, :] > order[:, None])
        winner = valid & ~later.any(1)
        indices.append((bid, cell, flat, cvals, kidx, winner))
    return indices


def _dice_loss(pred, tgt):
    a = (pred * tgt).sum((1, 2))
    b = (pred * pred).sum((1, 2)) + 1e-4
    c = (tgt * tgt).sum((1, 2)) + 1e-4
    return 1.0 - 2.0 * a / (b + c)


def _focal_loss(pred, labels, num_classes, avg_factor):
    oh = jax.nn.one_hot(labels, num_classes + 1, dtype=pred.dtype)[:, 1:]
    p = jnp.clip(pred, 1e-6, 1.0 - 1e-6)
    pt = (1.0 - p) * oh + p * (1.0 - oh)
    fw = (ALPHA * oh + (1.0 - ALPHA) * (1.0 - oh)) * pt ** GAMMA
    bce = -(oh * jnp.log(p) + (1.0 - oh) * jnp.log(1.0 - p))
    return (bce * fw).sum() / avg_factor


def _solo_loss(mask_preds, cate_preds, mask, indices):
    B = cate_preds[0].shape[0]
    num_grids = [cp.shape[2] for cp in cate_preds]
    featmap_sizes = [mp.shape[-2:] for mp in mask_preds]
    lclsp_list, lclst_list = [], []
    num_mask = jnp.zeros((), dtype=jnp.int32)
    lmask_sum = jnp.zeros((), dtype=jnp.float32)
    for i, (pi, pj) in enumerate(zip(cate_preds, mask_preds)):
        bid, cell, flat, cvals, kidx, winner = indices[i]
        ng = num_grids[i]
        Hf, Wf = featmap_sizes[i]
        sentinel = B * ng * ng
        widx = jnp.where(winner, flat, sentinel)
        tobj = jnp.zeros((B * ng * ng,), dtype=jnp.int32).at[widx].set(cvals, mode='drop')
        arr_mask = _resize_nearest(mask, Hf, Wf)[kidx].astype(jnp.uint8)
        pj_flat = pj.reshape(B, ng * ng, Hf, Wf)
        bi = jnp.clip(bid, 0, B - 1)
        ci = jnp.clip(cell, 0, ng * ng - 1)
        pmask = jax.nn.sigmoid(pj_flat[bi, ci])
        tm = arr_mask.astype(jnp.float32)
        w = winner.astype(jnp.float32)
        lmask_sum = lmask_sum + (_dice_loss(pmask, tm) * w).sum()
        num_mask = num_mask + winner.sum().astype(jnp.int32)
        lclsp_list.append(jnp.transpose(pi, (0, 2, 3, 1)).reshape(-1, NUM_CLASSES))
        lclst_list.append(tobj)
    lclsp = jnp.concatenate(lclsp_list, 0)
    lclst = jnp.concatenate(lclst_list, 0)
    lcls = _focal_loss(jax.nn.sigmoid(lclsp), lclst, NUM_CLASSES, num_mask + 1)
    lmask = lmask_sum / num_mask.astype(jnp.float32) * 3.0
    loss = lcls + lmask
    return loss, lcls, lmask


def setup_inputs(seed: int = 0):
    key = jax.random.key(seed)
    B, C = 4, NUM_CLASSES
    Hf = Wf = 64
    Hm = Wm = 256
    Ngt = 48
    ks = jax.random.split(key, 4)
    mask_preds0 = jax.random.normal(ks[0], (B, 40 * 40, Hf, Wf), dtype=jnp.float32)
    mask_preds1 = jax.random.normal(ks[1], (B, 36 * 36, Hf, Wf), dtype=jnp.float32)
    cate_preds0 = jax.random.normal(ks[2], (B, C, 40, 40), dtype=jnp.float32)
    cate_preds1 = jax.random.normal(ks[3], (B, C, 36, 36), dtype=jnp.float32)
    rng = np.random.default_rng(0)
    bids = np.repeat(np.arange(B), Ngt // B).astype(np.float32)
    cls = rng.integers(1, C + 1, Ngt).astype(np.float32)
    ws = rng.uniform(20.0, 200.0, Ngt).astype(np.float32)
    hs = rng.uniform(20.0, 200.0, Ngt).astype(np.float32)
    cx = (rng.uniform(0.2, 0.8, Ngt) * Wm).astype(np.float32)
    cy = (rng.uniform(0.2, 0.8, Ngt) * Hm).astype(np.float32)
    target = np.stack([bids, cls, cx, cy, ws, hs], 1).astype(np.float32)
    mask = np.zeros((Ngt, Hm, Wm), dtype=np.float32)
    for k in range(Ngt):
        x0 = int(max(cx[k] - ws[k] / 2, 0))
        x1 = int(min(cx[k] + ws[k] / 2, Wm))
        y0 = int(max(cy[k] - hs[k] / 2, 0))
        y1 = int(min(cy[k] + hs[k] / 2, Hm))
        mask[k, y0:y1, x0:x1] = 1.0
    return {
        "mask_preds0": mask_preds0,
        "mask_preds1": mask_preds1,
        "cate_preds0": cate_preds0,
        "cate_preds1": cate_preds1,
        "target": jnp.asarray(target),
        "mask": jnp.asarray(mask),
    }


def reference(mask_preds0, mask_preds1, cate_preds0, cate_preds1, target, mask):
    mask_preds = [mask_preds0, mask_preds1]
    cate_preds = [cate_preds0, cate_preds1]
    num_grids = [cp.shape[2] for cp in cate_preds]
    indices = _build_target(target, mask, num_grids)
    return _solo_loss(mask_preds, cate_preds, mask, indices)

if __name__ == "__main__":
    import jax
    _d = setup_inputs()
    print(jax.jit(kernel)(*tuple(_d.values())))

</pallas_src>

<mosaic_0001>
#map = affine_map<(d0, d1) -> (0, 0)>
#map1 = affine_map<(d0, d1) -> (0, 0, 0)>
module attributes {stable_mosaic.version = 14 : i64} {
  func.func @_sc_cate_body(%arg0: i32, %arg1: i32, %arg2: memref<4000x128xf32, #tpu.memory_space<hbm>>, %arg3: memref<3240x128xf32, #tpu.memory_space<hbm>>, %arg4: memref<2x16x32xi32, #tpu.memory_space<hbm>>, %arg5: memref<1024x128xf32, #tpu.memory_space<hbm>>, %arg6: memref<32xi32, #tpu.memory_space<vmem>>, %arg7: memref<32x128xf32, #tpu.memory_space<vmem>>, %arg8: memref<!tpu.dma_semaphore, #tpu.memory_space<semaphore_mem>>) attributes {dimension_semantics = [#tpu.dimension_semantics<core_parallel>, #tpu.dimension_semantics<subcore_parallel>], iteration_bounds = array<i64: 2, 16>, scalar_prefetch = 0 : i64, scratch_operands = 3 : i64, tpu.core_type = #tpu.core_type<sc_vector_subcore>, window_params = [{transform_indices = #map}, {transform_indices = #map}, {transform_indices = #map1}, {transform_indices = #map}]} {
    "tpu.region"() ({
      %run_scoped3A = tpu.sem_alloc : memref<!tpu.dma_semaphore, #tpu.memory_space<semaphore_mem>>
      %dma_start3A = arith.constant 0 : i32
      %dma_start3A_10 = tpu.memref_slice %arg4[%arg0, %arg1, %dma_start3A] : memref<2x16x32xi32, #tpu.memory_space<hbm>> -> memref<1x1x32xi32, #tpu.memory_space<hbm>>
      %dma_start3A_11 = tpu.memref_squeeze %dma_start3A_10 : memref<1x1x32xi32, #tpu.memory_space<hbm>> -> memref<32xi32, #tpu.memory_space<hbm>>
      %dma_start3A_12 = arith.constant 0 : i32
      %dma_start3A_13 = tpu.memref_slice %arg4[%arg0, %arg1, %dma_start3A_12] : memref<2x16x32xi32, #tpu.memory_space<hbm>> -> memref<1x1x32xi32, #tpu.memory_space<hbm>>
      %dma_start3A_14 = tpu.memref_squeeze %dma_start3A_13 : memref<1x1x32xi32, #tpu.memory_space<hbm>> -> memref<32xi32, #tpu.memory_space<hbm>>
      tpu.enqueue_dma source(%dma_start3A_14 : memref<32xi32, #tpu.memory_space<hbm>>) target(%arg6 : memref<32xi32, #tpu.memory_space<vmem>>) target_semaphore(%run_scoped3A : memref<!tpu.dma_semaphore, #tpu.memory_space<semaphore_mem>>)
      %dma_wait3A = arith.constant 0 : i32
      %dma_wait3A_15 = tpu.memref_slice %arg4[%arg0, %arg1, %dma_wait3A] : memref<2x16x32xi32, #tpu.memory_space<hbm>> -> memref<1x1x32xi32, #tpu.memory_space<hbm>>
      %dma_wait3A_16 = tpu.memref_squeeze %dma_wait3A_15 : memref<1x1x32xi32, #tpu.memory_space<hbm>> -> memref<32xi32, #tpu.memory_space<hbm>>
      %dma_wait3A_17 = arith.constant 0 : i32
      %dma_wait3A_18 = tpu.memref_slice %arg4[%arg0, %arg1, %dma_wait3A_17] : memref<2x16x32xi32, #tpu.memory_space<hbm>> -> memref<1x1x32xi32, #tpu.memory_space<hbm>>
      %dma_wait3A_19 = tpu.memref_squeeze %dma_wait3A_18 : memref<1x1x32xi32, #tpu.memory_space<hbm>> -> memref<32xi32, #tpu.memory_space<hbm>>
      tpu.wait_dma2 semaphore(%run_scoped3A : memref<!tpu.dma_semaphore, #tpu.memory_space<semaphore_mem>>) src(%dma_wait3A_19 : memref<32xi32, #tpu.memory_space<hbm>>) dst(%arg6 : memref<32xi32, #tpu.memory_space<vmem>>)
      tpu.yield
    }) : () -> ()
    %eq3A = arith.constant 0 : i32
    %eq3A_0 = arith.cmpi eq, %arg0, %eq3A : i32
    %convert_element_type3A = arith.extui %eq3A_0 : i1 to i32
    %cond3A = arith.constant 0 : i32
    %cond3A_1 = arith.cmpi ne, %convert_element_type3A, %cond3A : i32
    scf.if %cond3A_1 {
      %dma_start3A = arith.constant 0 : i32
      %dma_start3A_10 = arith.constant 0 : i32
      %dma_start3A_11 = tpu.memref_slice %arg2[%dma_start3A, %dma_start3A_10] : memref<4000x128xf32, #tpu.memory_space<hbm>> -> memref<4000x128xf32, #tpu.memory_space<hbm>>
      tpu.enqueue_indirect_dma source(%dma_start3A_11 : memref<4000x128xf32, #tpu.memory_space<hbm>>) target(%arg7 : memref<32x128xf32, #tpu.memory_space<vmem>>) offsets(%arg6 : memref<32xi32, #tpu.memory_space<vmem>>) semaphore(%arg8 : memref<!tpu.dma_semaphore, #tpu.memory_space<semaphore_mem>>)
      %dma_wait3A = arith.constant 0 : i32
      %dma_wait3A_12 = arith.constant 0 : i32
      %dma_wait3A_13 = tpu.memref_slice %arg2[%dma_wait3A, %dma_wait3A_12] : memref<4000x128xf32, #tpu.memory_space<hbm>> -> memref<4000x128xf32, #tpu.memory_space<hbm>>
      tpu.wait_indirect_dma semaphore(%arg8 : memref<!tpu.dma_semaphore, #tpu.memory_space<semaphore_mem>>) src(%dma_wait3A_13 : memref<4000x128xf32, #tpu.memory_space<hbm>>) dst(%arg7 : memref<32x128xf32, #tpu.memory_space<vmem>>)
    } else {
    }
    %eq3A_2 = arith.constant 1 : i32
    %eq3A_3 = arith.cmpi eq, %arg0, %eq3A_2 : i32
    %convert_element_type3A_4 = arith.extui %eq3A_3 : i1 to i32
    %cond3A_5 = arith.constant 0 : i32
    %cond3A_6 = arith.cmpi ne, %convert_element_type3A_4, %cond3A_5 : i32
    scf.if %cond3A_6 {
      %dma_start3A = arith.constant 0 : i32
      %dma_start3A_10 = arith.constant 0 : i32
      %dma_start3A_11 = tpu.memref_slice %arg3[%dma_start3A, %dma_start3A_10] : memref<3240x128xf32, #tpu.memory_space<hbm>> -> memref<3240x128xf32, #tpu.memory_space<hbm>>
      tpu.enqueue_indirect_dma source(%dma_start3A_11 : memref<3240x128xf32, #tpu.memory_space<hbm>>) target(%arg7 : memref<32x128xf32, #tpu.memory_space<vmem>>) offsets(%arg6 : memref<32xi32, #tpu.memory_space<vmem>>) semaphore(%arg8 : memref<!tpu.dma_semaphore, #tpu.memory_space<semaphore_mem>>)
      %dma_wait3A = arith.constant 0 : i32
      %dma_wait3A_12 = arith.constant 0 : i32
      %dma_wait3A_13 = tpu.memref_slice %arg3[%dma_wait3A, %dma_wait3A_12] : memref<3240x128xf32, #tpu.memory_space<hbm>> -> memref<3240x128xf32, #tpu.memory_space<hbm>>
      tpu.wait_indirect_dma semaphore(%arg8 : memref<!tpu.dma_semaphore, #tpu.memory_space<semaphore_mem>>) src(%dma_wait3A_13 : memref<3240x128xf32, #tpu.memory_space<hbm>>) dst(%arg7 : memref<32x128xf32, #tpu.memory_space<vmem>>)
    } else {
    }
    %mul3A = arith.constant 512 : i32
    %mul3A_7 = arith.muli %arg0, %mul3A : i32
    %mul3A_8 = arith.constant 32 : i32
    %mul3A_9 = arith.muli %arg1, %mul3A_8 : i32
    %add3A = arith.addi %mul3A_7, %mul3A_9 : i32
    "tpu.region"() ({
      %run_scoped3A = tpu.sem_alloc : memref<!tpu.dma_semaphore, #tpu.memory_space<semaphore_mem>>
      %dma_start3A = arith.constant 0 : i32
      %dma_start3A_10 = tpu.memref_slice %arg5[%add3A, %dma_start3A] : memref<1024x128xf32, #tpu.memory_space<hbm>> -> memref<32x128xf32, #tpu.memory_space<hbm>>
      %dma_start3A_11 = arith.constant 0 : i32
      %dma_start3A_12 = tpu.memref_slice %arg5[%add3A, %dma_start3A_11] : memref<1024x128xf32, #tpu.memory_space<hbm>> -> memref<32x128xf32, #tpu.memory_space<hbm>>
      tpu.enqueue_dma source(%arg7 : memref<32x128xf32, #tpu.memory_space<vmem>>) target(%dma_start3A_12 : memref<32x128xf32, #tpu.memory_space<hbm>>) target_semaphore(%run_scoped3A : memref<!tpu.dma_semaphore, #tpu.memory_space<semaphore_mem>>)
      %dma_wait3A = arith.constant 0 : i32
      %dma_wait3A_13 = tpu.memref_slice %arg5[%add3A, %dma_wait3A] : memref<1024x128xf32, #tpu.memory_space<hbm>> -> memref<32x128xf32, #tpu.memory_space<hbm>>
      %dma_wait3A_14 = arith.constant 0 : i32
      %dma_wait3A_15 = tpu.memref_slice %arg5[%add3A, %dma_wait3A_14] : memref<1024x128xf32, #tpu.memory_space<hbm>> -> memref<32x128xf32, #tpu.memory_space<hbm>>
      tpu.wait_dma2 semaphore(%run_scoped3A : memref<!tpu.dma_semaphore, #tpu.memory_space<semaphore_mem>>) src(%arg7 : memref<32x128xf32, #tpu.memory_space<vmem>>) dst(%dma_wait3A_15 : memref<32x128xf32, #tpu.memory_space<hbm>>)
      tpu.yield
    }) : () -> ()
    return
  }
}

module attributes {stable_mosaic.version = 14 : i64} {
  func.func @_moments_bg_body(%arg0: memref<48x256x256xf32, #tpu.memory_space<vmem>>, %arg1: memref<4x80x40x40xf32, #tpu.memory_space<vmem>>, %arg2: memref<4x80x36x36xf32, #tpu.memory_space<vmem>>, %arg3: memref<48x128xf32, #tpu.memory_space<vmem>>, %arg4: memref<1x128xf32, #tpu.memory_space<vmem>>) attributes {dimension_semantics = [], scalar_prefetch = 0 : i64, scratch_operands = 0 : i64, tpu.core_type = #tpu.core_type<tc>} {
    %get3A = arith.constant 0 : index
    %get3A_0 = arith.constant 0 : index
    %get3A_1 = arith.constant 0 : index
    %get3A_2 = vector.load %arg0[%get3A, %get3A_0, %get3A_1] : memref<48x256x256xf32, #tpu.memory_space<vmem>>, vector<48x256x256xf32>
    %iota3A = tpu.iota {dimensions = array<i32: 1>} : vector<1x256x256xi32>
    %convert_element_type3A = arith.sitofp %iota3A : vector<1x256x256xi32> to vector<1x256x256xf32>
    %iota3A_3 = tpu.iota {dimensions = array<i32: 2>} : vector<1x256x256xi32>
    %convert_element_type3A_4 = arith.sitofp %iota3A_3 : vector<1x256x256xi32> to vector<1x256x256xf32>
    %reduce_sum3A = arith.constant dense<0.000000e+00> : vector<48xf32>
    %reduce_sum3A_5 = vector.multi_reduction <add>, %get3A_2, %reduce_sum3A [1, 2] : vector<48x256x256xf32> to vector<48xf32>
    %mul3A = vector.broadcast %convert_element_type3A : vector<1x256x256xf32> to vector<48x256x256xf32>
    %mul3A_6 = arith.mulf %get3A_2, %mul3A : vector<48x256x256xf32>
    %reduce_sum3A_7 = arith.constant dense<0.000000e+00> : vector<48xf32>
    %reduce_sum3A_8 = vector.multi_reduction <add>, %mul3A_6, %reduce_sum3A_7 [1, 2] : vector<48x256x256xf32> to vector<48xf32>
    %mul3A_9 = vector.broadcast %convert_element_type3A_4 : vector<1x256x256xf32> to vector<48x256x256xf32>
    %mul3A_10 = arith.mulf %get3A_2, %mul3A_9 : vector<48x256x256xf32>
    %reduce_sum3A_11 = arith.constant dense<0.000000e+00> : vector<48xf32>
    %reduce_sum3A_12 = vector.multi_reduction <add>, %mul3A_10, %reduce_sum3A_11 [1, 2] : vector<48x256x256xf32> to vector<48xf32>
    %iota3A_13 = tpu.iota {dimensions = array<i32: 1>} : vector<48x128xi32>
    %broadcast_in_dim3A = vector.shape_cast %reduce_sum3A_5 : vector<48xf32> to vector<48x1xf32>
    %eq3A = arith.constant 0 : i32
    %eq3A_14 = vector.broadcast %eq3A : i32 to vector<48x128xi32>
    %eq3A_15 = arith.cmpi eq, %iota3A_13, %eq3A_14 : vector<48x128xi32>
    %convert_element_type3A_16 = arith.extui %eq3A_15 : vector<48x128xi1> to vector<48x128xi32>
    %convert_element_type3A_17 = arith.sitofp %convert_element_type3A_16 : vector<48x128xi32> to vector<48x128xf32>
    %mul3A_18 = vector.broadcast %broadcast_in_dim3A : vector<48x1xf32> to vector<48x128xf32>
    %mul3A_19 = arith.mulf %mul3A_18, %convert_element_type3A_17 : vector<48x128xf32>
    %broadcast_in_dim3A_20 = vector.shape_cast %reduce_sum3A_8 : vector<48xf32> to vector<48x1xf32>
    %eq3A_21 = arith.constant 1 : i32
    %eq3A_22 = vector.broadcast %eq3A_21 : i32 to vector<48x128xi32>
    %eq3A_23 = arith.cmpi eq, %iota3A_13, %eq3A_22 : vector<48x128xi32>
    %convert_element_type3A_24 = arith.extui %eq3A_23 : vector<48x128xi1> to vector<48x128xi32>
    %convert_element_type3A_25 = arith.sitofp %convert_element_type3A_24 : vector<48x128xi32> to vector<48x128xf32>
    %mul3A_26 = vector.broadcast %broadcast_in_dim3A_20 : vector<48x1xf32> to vector<48x128xf32>
    %mul3A_27 = arith.mulf %mul3A_26, %convert_element_type3A_25 : vector<48x128xf32>
    %add3A = arith.addf %mul3A_19, %mul3A_27 : vector<48x128xf32>
    %broadcast_in_dim3A_28 = vector.shape_cast %reduce_sum3A_12 : vector<48xf32> to vector<48x1xf32>
    %eq3A_29 = arith.constant 2 : i32
    %eq3A_30 = vector.broadcast %eq3A_29 : i32 to vector<48x128xi32>
    %eq3A_31 = arith.cmpi eq, %iota3A_13, %eq3A_30 : vector<48x128xi32>
    %convert_element_type3A_32 = arith.extui %eq3A_31 : vector<48x128xi1> to vector<48x128xi32>
    %convert_element_type3A_33 = arith.sitofp %convert_element_type3A_32 : vector<48x128xi32> to vector<48x128xf32>
    %mul3A_34 = vector.broadcast %broadcast_in_dim3A_28 : vector<48x1xf32> to vector<48x128xf32>
    %mul3A_35 = arith.mulf %mul3A_34, %convert_element_type3A_33 : vector<48x128xf32>
    %add3A_36 = arith.addf %add3A, %mul3A_35 : vector<48x128xf32>
    %swap3A = arith.constant 0 : index
    %swap3A_37 = arith.constant 0 : index
    %swap3A_38 = vector.load %arg3[%swap3A, %swap3A_37] : memref<48x128xf32, #tpu.memory_space<vmem>>, vector<48x128xf32>
    tpu.vector_store %arg3[%swap3A, %swap3A_37], %add3A_36 {strides = array<i32>} : memref<48x128xf32, #tpu.memory_space<vmem>>, vector<48x128xf32>,
    %get3A_39 = arith.constant 0 : index
    %get3A_40 = arith.constant 0 : index
    %get3A_41 = arith.constant 0 : index
    %get3A_42 = arith.constant 0 : index
    %get3A_43 = vector.load %arg1[%get3A_39, %get3A_40, %get3A_41, %get3A_42] : memref<4x80x40x40xf32, #tpu.memory_space<vmem>>, vector<4x80x40x40xf32>
    %logistic3A = arith.negf %get3A_43 : vector<4x80x40x40xf32>
    %logistic3A_44 = math.exp %logistic3A : vector<4x80x40x40xf32>
    %logistic3A_45 = arith.constant 1.000000e+00 : f32
    %logistic3A_46 = vector.broadcast %logistic3A_45 : f32 to vector<4x80x40x40xf32>
    %logistic3A_47 = arith.addf %logistic3A_46, %logistic3A_44 : vector<4x80x40x40xf32>
    %logistic3A_48 = arith.divf %logistic3A_46, %logistic3A_47 : vector<4x80x40x40xf32>
    %jit3A = arith.constant 9.99999997E-7 : f32
    %jit3A_49 = arith.constant 0.999998986 : f32
    %max3A = vector.broadcast %jit3A : f32 to vector<4x80x40x40xf32>
    %max3A_50 = arith.maximumf %max3A, %logistic3A_48 : vector<4x80x40x40xf32>
    %min3A = vector.broadcast %jit3A_49 : f32 to vector<4x80x40x40xf32>
    %min3A_51 = arith.minimumf %min3A, %max3A_50 : vector<4x80x40x40xf32>
    %mul3A_52 = arith.constant 7.500000e-01 : f32
    %mul3A_53 = vector.broadcast %mul3A_52 : f32 to vector<4x80x40x40xf32>
    %mul3A_54 = arith.mulf %mul3A_53, %min3A_51 : vector<4x80x40x40xf32>
    %mul3A_55 = arith.mulf %mul3A_54, %min3A_51 : vector<4x80x40x40xf32>
    %sub3A = arith.constant 1.000000e+00 : f32
    %sub3A_56 = vector.broadcast %sub3A : f32 to vector<4x80x40x40xf32>
    %sub3A_57 = arith.subf %sub3A_56, %min3A_51 : vector<4x80x40x40xf32>
    %log3A = math.log %sub3A_57 : vector<4x80x40x40xf32>
    %neg3A = arith.constant 0.000000e+00 : f32
    %neg3A_58 = vector.broadcast %neg3A : f32 to vector<4x80x40x40xf32>
    %neg3A_59 = arith.subf %neg3A_58, %log3A : vector<4x80x40x40xf32>
    %mul3A_60 = arith.mulf %mul3A_55, %neg3A_59 : vector<4x80x40x40xf32>
    %reduce_sum3A_61 = vector.shape_cast %mul3A_60 : vector<4x80x40x40xf32> to vector<1x4x80x40x40xf32>
    %reduce_sum3A_62 = arith.constant dense<0.000000e+00> : vector<1xf32>
    %reduce_sum3A_63 = vector.multi_reduction <add>, %reduce_sum3A_61, %reduce_sum3A_62 [1, 2, 3, 4] : vector<1x4x80x40x40xf32> to vector<1xf32>
    %reduce_sum3A_64 = vector.shape_cast %reduce_sum3A_63 : vector<1xf32> to vector<1x1x1x1x1xf32>
    %reduce_sum3A_65 = vector.extract %reduce_sum3A_64[0, 0, 0, 0, 0] : f32 from vector<1x1x1x1x1xf32>
    %get3A_66 = arith.constant 0 : index
    %get3A_67 = arith.constant 0 : index
    %get3A_68 = arith.constant 0 : index
    %get3A_69 = arith.constant 0 : index
    %get3A_70 = vector.load %arg2[%get3A_66, %get3A_67, %get3A_68, %get3A_69] : memref<4x80x36x36xf32, #tpu.memory_space<vmem>>, vector<4x80x36x36xf32>
    %logistic3A_71 = arith.negf %get3A_70 : vector<4x80x36x36xf32>
    %logistic3A_72 = math.exp %logistic3A_71 : vector<4x80x36x36xf32>
    %logistic3A_73 = arith.constant 1.000000e+00 : f32
    %logistic3A_74 = vector.broadcast %logistic3A_73 : f32 to vector<4x80x36x36xf32>
    %logistic3A_75 = arith.addf %logistic3A_74, %logistic3A_72 : vector<4x80x36x36xf32>
    %logistic3A_76 = arith.divf %logistic3A_74, %logistic3A_75 : vector<4x80x36x36xf32>
    %jit3A_77 = arith.constant 9.99999997E-7 : f32
    %jit3A_78 = arith.constant 0.999998986 : f32
    %max3A_79 = vector.broadcast %jit3A_77 : f32 to vector<4x80x36x36xf32>
    %max3A_80 = arith.maximumf %max3A_79, %logistic3A_76 : vector<4x80x36x36xf32>
    %min3A_81 = vector.broadcast %jit3A_78 : f32 to vector<4x80x36x36xf32>
    %min3A_82 = arith.minimumf %min3A_81, %max3A_80 : vector<4x80x36x36xf32>
    %mul3A_83 = arith.constant 7.500000e-01 : f32
    %mul3A_84 = vector.broadcast %mul3A_83 : f32 to vector<4x80x36x36xf32>
    %mul3A_85 = arith.mulf %mul3A_84, %min3A_82 : vector<4x80x36x36xf32>
    %mul3A_86 = arith.mulf %mul3A_85, %min3A_82 : vector<4x80x36x36xf32>
    %sub3A_87 = arith.constant 1.000000e+00 : f32
    %sub3A_88 = vector.broadcast %sub3A_87 : f32 to vector<4x80x36x36xf32>
    %sub3A_89 = arith.subf %sub3A_88, %min3A_82 : vector<4x80x36x36xf32>
    %log3A_90 = math.log %sub3A_89 : vector<4x80x36x36xf32>
    %neg3A_91 = arith.constant 0.000000e+00 : f32
    %neg3A_92 = vector.broadcast %neg3A_91 : f32 to vector<4x80x36x36xf32>
    %neg3A_93 = arith.subf %neg3A_92, %log3A_90 : vector<4x80x36x36xf32>
    %mul3A_94 = arith.mulf %mul3A_86, %neg3A_93 : vector<4x80x36x36xf32>
    %reduce_sum3A_95 = vector.shape_cast %mul3A_94 : vector<4x80x36x36xf32> to vector<1x4x80x36x36xf32>
    %reduce_sum3A_96 = arith.constant dense<0.000000e+00> : vector<1xf32>
    %reduce_sum3A_97 = vector.multi_reduction <add>, %reduce_sum3A_95, %reduce_sum3A_96 [1, 2, 3, 4] : vector<1x4x80x36x36xf32> to vector<1xf32>
    %reduce_sum3A_98 = vector.shape_cast %reduce_sum3A_97 : vector<1xf32> to vector<1x1x1x1x1xf32>
    %reduce_sum3A_99 = vector.extract %reduce_sum3A_98[0, 0, 0, 0, 0] : f32 from vector<1x1x1x1x1xf32>
    %add3A_100 = arith.addf %reduce_sum3A_65, %reduce_sum3A_99 : f32
    %iota3A_101 = tpu.iota {dimensions = array<i32: 1>} : vector<1x128xi32>
    %eq3A_102 = arith.constant 0 : i32
    %eq3A_103 = vector.broadcast %eq3A_102 : i32 to vector<1x128xi32>
    %eq3A_104 = arith.cmpi eq, %iota3A_101, %eq3A_103 : vector<1x128xi32>
    %jit3A_105 = arith.constant 0.000000e+00 : f32
    %broadcast_in_dim3A_106 = vector.broadcast %add3A_100 : f32 to vector<1x128xf32>
    %broadcast_in_dim3A_107 = vector.broadcast %jit3A_105 : f32 to vector<1x128xf32>
    %select_n3A = arith.select %eq3A_104, %broadcast_in_dim3A_106, %broadcast_in_dim3A_107 : vector<1x128xi1>, vector<1x128xf32>
    %swap3A_108 = arith.constant 0 : index
    %swap3A_109 = arith.constant 0 : index
    %swap3A_110 = vector.load %arg4[%swap3A_108, %swap3A_109] : memref<1x128xf32, #tpu.memory_space<vmem>>, vector<1x128xf32>
    tpu.vector_store %arg4[%swap3A_108, %swap3A_109], %select_n3A {strides = array<i32>} : memref<1x128xf32, #tpu.memory_space<vmem>>, vector<1x128xf32>,
    return
  }
}

module attributes {stable_mosaic.version = 14 : i64} {
  func.func @_dice_body(%arg0: i32, %arg1: memref<48xi32, #tpu.memory_space<smem>>, %arg2: memref<48xi32, #tpu.memory_space<smem>>, %arg3: memref<48xi32, #tpu.memory_space<smem>>, %arg4: memref<432xi32, #tpu.memory_space<smem>>, %arg5: memref<432xi32, #tpu.memory_space<smem>>, %arg6: memref<432xi32, #tpu.memory_space<smem>>, %arg7: memref<4x36x36x64x64xf32, #tpu.memory_space<any>>, %arg8: memref<48x64x64xf32, #tpu.memory_space<vmem>>, %arg9: memref<1x128xf32, #tpu.memory_space<vmem>>, %arg10: memref<8x3x3x64x64xf32, #tpu.memory_space<vmem>>, %arg11: memref<8x!tpu.dma_semaphore, #tpu.memory_space<semaphore_mem>>) attributes {dimension_semantics = [#tpu.dimension_semantics<arbitrary>], iteration_bounds = array<i64: 1>, scalar_prefetch = 6 : i64, scratch_operands = 2 : i64, tpu.core_type = #tpu.core_type<tc>, window_params = [{}, {pipeline_mode = #tpu.pipeline_mode<synchronous>, transform_indices = @transform_1, window_bounds = array<i64: 48, 64, 64>}, {pipeline_mode = #tpu.pipeline_mode<synchronous>, transform_indices = @transform_2, window_bounds = array<i64: 1, 128>}]} {
    %get3A = arith.constant 0 : index
    %get3A_0 = memref.load %arg1[%get3A] : memref<48xi32, #tpu.memory_space<smem>>
    %get3A_1 = arith.constant 0 : index
    %get3A_2 = memref.load %arg2[%get3A_1] : memref<48xi32, #tpu.memory_space<smem>>
    %get3A_3 = arith.constant 0 : index
    %get3A_4 = memref.load %arg3[%get3A_3] : memref<48xi32, #tpu.memory_space<smem>>
    %dma_start3A = arith.constant 0 : i32
    %dma_start3A_5 = arith.constant 0 : i32
    %dma_start3A_6 = tpu.memref_slice %arg11[%dma_start3A_5] : memref<8x!tpu.dma_semaphore, #tpu.memory_space<semaphore_mem>> -> memref<1x!tpu.dma_semaphore, #tpu.memory_space<semaphore_mem>>
    %dma_start3A_7 = tpu.memref_squeeze %dma_start3A_6 : memref<1x!tpu.dma_semaphore, #tpu.memory_space<semaphore_mem>> -> memref<!tpu.dma_semaphore, #tpu.memory_space<semaphore_mem>>
    %dma_start3A_8 = arith.constant 0 : i32
    %dma_start3A_9 = arith.constant 0 : i32
    %dma_start3A_10 = arith.constant 0 : i32
    %dma_start3A_11 = arith.constant 0 : i32
    %dma_start3A_12 = tpu.memref_slice %arg10[%dma_start3A, %dma_start3A_8, %dma_start3A_9, %dma_start3A_10, %dma_start3A_11] : memref<8x3x3x64x64xf32, #tpu.memory_space<vmem>> -> memref<1x3x3x64x64xf32, #tpu.memory_space<vmem>>
    %dma_start3A_13 = tpu.memref_squeeze %dma_start3A_12 : memref<1x3x3x64x64xf32, #tpu.memory_space<vmem>> -> memref<3x3x64x64xf32, #tpu.memory_space<vmem>>
    %dma_start3A_14 = arith.constant 0 : i32
    %dma_start3A_15 = arith.constant 0 : i32
    %dma_start3A_16 = tpu.memref_slice %arg7[%get3A_0, %get3A_2, %get3A_4, %dma_start3A_14, %dma_start3A_15] : memref<4x36x36x64x64xf32, #tpu.memory_space<any>> -> memref<1x3x3x64x64xf32, #tpu.memory_space<any>>
    %dma_start3A_17 = tpu.memref_squeeze %dma_start3A_16 : memref<1x3x3x64x64xf32, #tpu.memory_space<any>> -> memref<3x3x64x64xf32, #tpu.memory_space<any>>
    tpu.enqueue_dma source(%dma_start3A_17 : memref<3x3x64x64xf32, #tpu.memory_space<any>>) target(%dma_start3A_13 : memref<3x3x64x64xf32, #tpu.memory_space<vmem>>) target_semaphore(%dma_start3A_7 : memref<!tpu.dma_semaphore, #tpu.memory_space<semaphore_mem>>)
    %get3A_18 = arith.constant 1 : index
    %get3A_19 = memref.load %arg1[%get3A_18] : memref<48xi32, #tpu.memory_space<smem>>
    %get3A_20 = arith.constant 1 : index
    %get3A_21 = memref.load %arg2[%get3A_20] : memref<48xi32, #tpu.memory_space<smem>>
    %get3A_22 = arith.constant 1 : index
    %get3A_23 = memref.load %arg3[%get3A_22] : memref<48xi32, #tpu.memory_space<smem>>
    %dma_start3A_24 = arith.constant 1 : i32
    %dma_start3A_25 = arith.constant 1 : i32
    %dma_start3A_26 = tpu.memref_slice %arg11[%dma_start3A_25] : memref<8x!tpu.dma_semaphore, #tpu.memory_space<semaphore_mem>> -> memref<1x!tpu.dma_semaphore, #tpu.memory_space<semaphore_mem>>
    %dma_start3A_27 = tpu.memref_squeeze %dma_start3A_26 : memref<1x!tpu.dma_semaphore, #tpu.memory_space<semaphore_mem>> -> memref<!tpu.dma_semaphore, #tpu.memory_space<semaphore_mem>>
    %dma_start3A_28 = arith.constant 0 : i32
    %dma_start3A_29 = arith.constant 0 : i32
    %dma_start3A_30 = arith.constant 0 : i32
    %dma_start3A_31 = arith.constant 0 : i32
    %dma_start3A_32 = tpu.memref_slice %arg10[%dma_start3A_24, %dma_start3A_28, %dma_start3A_29, %dma_start3A_30, %dma_start3A_31] : memref<8x3x3x64x64xf32, #tpu.memory_space<vmem>> -> memref<1x3x3x64x64xf32, #tpu.memory_space<vmem>>
    %dma_start3A_33 = tpu.memref_squeeze %dma_start3A_32 : memref<1x3x3x64x64xf32, #tpu.memory_space<vmem>> -> memref<3x3x64x64xf32, #tpu.memory_space<vmem>>
    %dma_start3A_34 = arith.constant 0 : i32
    %dma_start3A_35 = arith.constant 0 : i32
    %dma_start3A_36 = tpu.memref_slice %arg7[%get3A_19, %get3A_21, %get3A_23, %dma_start3A_34, %dma_start3A_35] : memref<4x36x36x64x64xf32, #tpu.memory_space<any>> -> memref<1x3x3x64x64xf32, #tpu.memory_space<any>>
    %dma_start3A_37 = tpu.memref_squeeze %dma_start3A_36 : memref<1x3x3x64x64xf32, #tpu.memory_space<any>> -> memref<3x3x64x64xf32, #tpu.memory_space<any>>
    tpu.enqueue_dma source(%dma_start3A_37 : memref<3x3x64x64xf32, #tpu.memory_space<any>>) target(%dma_start3A_33 : memref<3x3x64x64xf32, #tpu.memory_space<vmem>>) target_semaphore(%dma_start3A_27 : memref<!tpu.dma_semaphore, #tpu.memory_space<semaphore_mem>>)
    %get3A_38 = arith.constant 2 : index
    %get3A_39 = memref.load %arg1[%get3A_38] : memref<48xi32, #tpu.memory_space<smem>>
    %get3A_40 = arith.constant 2 : index
    %get3A_41 = memref.load %arg2[%get3A_40] : memref<48xi32, #tpu.memory_space<smem>>
    %get3A_42 = arith.constant 2 : index
    %get3A_43 = memref.load %arg3[%get3A_42] : memref<48xi32, #tpu.memory_space<smem>>
    %dma_start3A_44 = arith.constant 2 : i32
    %dma_start3A_45 = arith.constant 2 : i32
    %dma_start3A_46 = tpu.memref_slice %arg11[%dma_start3A_45] : memref<8x!tpu.dma_semaphore, #tpu.memory_space<semaphore_mem>> -> memref<1x!tpu.dma_semaphore, #tpu.memory_space<semaphore_mem>>
    %dma_start3A_47 = tpu.memref_squeeze %dma_start3A_46 : memref<1x!tpu.dma_semaphore, #tpu.memory_space<semaphore_mem>> -> memref<!tpu.dma_semaphore, #tpu.memory_space<semaphore_mem>>
    %dma_start3A_48 = arith.constant 0 : i32
    %dma_start3A_49 = arith.constant 0 : i32
    %dma_start3A_50 = arith.constant 0 : i32
    %dma_start3A_51 = arith.constant 0 : i32
    %dma_start3A_52 = tpu.memref_slice %arg10[%dma_start3A_44, %dma_start3A_48, %dma_start3A_49, %dma_start3A_50, %dma_start3A_51] : memref<8x3x3x64x64xf32, #tpu.memory_space<vmem>> -> memref<1x3x3x64x64xf32, #tpu.memory_space<vmem>>
    %dma_start3A_53 = tpu.memref_squeeze %dma_start3A_52 : memref<1x3x3x64x64xf32, #tpu.memory_space<vmem>> -> memref<3x3x64x64xf32, #tpu.memory_space<vmem>>
    %dma_start3A_54 = arith.constant 0 : i32
    %dma_start3A_55 = arith.constant 0 : i32
    %dma_start3A_56 = tpu.memref_slice %arg7[%get3A_39, %get3A_41, %get3A_43, %dma_start3A_54, %dma_start3A_55] : memref<4x36x36x64x64xf32, #tpu.memory_space<any>> -> memref<1x3x3x64x64xf32, #tpu.memory_space<any>>
    %dma_start3A_57 = tpu.memref_squeeze %dma_start3A_56 : memref<1x3x3x64x64xf32, #tpu.memory_space<any>> -> memref<3x3x64x64xf32, #tpu.memory_space<any>>
    tpu.enqueue_dma source(%dma_start3A_57 : memref<3x3x64x64xf32, #tpu.memory_space<any>>) target(%dma_start3A_53 : memref<3x3x64x64xf32, #tpu.memory_space<vmem>>) target_semaphore(%dma_start3A_47 : memref<!tpu.dma_semaphore, #tpu.memory_space<semaphore_mem>>)
    %get3A_58 = arith.constant 3 : index
    %get3A_59 = memref.load %arg1[%get3A_58] : memref<48xi32, #tpu.memory_space<smem>>
    %get3A_60 = arith.constant 3 : index
    %get3A_61 = memref.load %arg2[%get3A_60] : memref<48xi32, #tpu.memory_space<smem>>
    %get3A_62 = arith.constant 3 : index
    %get3A_63 = memref.load %arg3[%get3A_62] : memref<48xi32, #tpu.memory_space<smem>>
    %dma_start3A_64 = arith.constant 3 : i32
    %dma_start3A_65 = arith.constant 3 : i32
    %dma_start3A_66 = tpu.memref_slice %arg11[%dma_start3A_65] : memref<8x!tpu.dma_semaphore, #tpu.memory_space<semaphore_mem>> -> memref<1x!tpu.dma_semaphore, #tpu.memory_space<semaphore_mem>>
    %dma_start3A_67 = tpu.memref_squeeze %dma_start3A_66 : memref<1x!tpu.dma_semaphore, #tpu.memory_space<semaphore_mem>> -> memref<!tpu.dma_semaphore, #tpu.memory_space<semaphore_mem>>
    %dma_start3A_68 = arith.constant 0 : i32
    %dma_start3A_69 = arith.constant 0 : i32
    %dma_start3A_70 = arith.constant 0 : i32
    %dma_start3A_71 = arith.constant 0 : i32
    %dma_start3A_72 = tpu.memref_slice %arg10[%dma_start3A_64, %dma_start3A_68, %dma_start3A_69, %dma_start3A_70, %dma_start3A_71] : memref<8x3x3x64x64xf32, #tpu.memory_space<vmem>> -> memref<1x3x3x64x64xf32, #tpu.memory_space<vmem>>
    %dma_start3A_73 = tpu.memref_squeeze %dma_start3A_72 : memref<1x3x3x64x64xf32, #tpu.memory_space<vmem>> -> memref<3x3x64x64xf32, #tpu.memory_space<vmem>>
    %dma_start3A_74 = arith.constant 0 : i32
    %dma_start3A_75 = arith.constant 0 : i32
    %dma_start3A_76 = tpu.memref_slice %arg7[%get3A_59, %get3A_61, %get3A_63, %dma_start3A_74, %dma_start3A_75] : memref<4x36x36x64x64xf32, #tpu.memory_space<any>> -> memref<1x3x3x64x64xf32, #tpu.memory_space<any>>
    %dma_start3A_77 = tpu.memref_squeeze %dma_start3A_76 : memref<1x3x3x64x64xf32, #tpu.memory_space<any>> -> memref<3x3x64x64xf32, #tpu.memory_space<any>>
    tpu.enqueue_dma source(%dma_start3A_77 : memref<3x3x64x64xf32, #tpu.memory_space<any>>) target(%dma_start3A_73 : memref<3x3x64x64xf32, #tpu.memory_space<vmem>>) target_semaphore(%dma_start3A_67 : memref<!tpu.dma_semaphore, #tpu.memory_space<semaphore_mem>>)
    %get3A_78 = arith.constant 4 : index
    %get3A_79 = memref.load %arg1[%get3A_78] : memref<48xi32, #tpu.memory_space<smem>>
    %get3A_80 = arith.constant 4 : index
    %get3A_81 = memref.load %arg2[%get3A_80] : memref<48xi32, #tpu.memory_space<smem>>
    %get3A_82 = arith.constant 4 : index
    %get3A_83 = memref.load %arg3[%get3A_82] : memref<48xi32, #tpu.memory_space<smem>>
    %dma_start3A_84 = arith.constant 4 : i32
    %dma_start3A_85 = arith.constant 4 : i32
    %dma_start3A_86 = tpu.memref_slice %arg11[%dma_start3A_85] : memref<8x!tpu.dma_semaphore, #tpu.memory_space<semaphore_mem>> -> memref<1x!tpu.dma_semaphore, #tpu.memory_space<semaphore_mem>>
    %dma_start3A_87 = tpu.memref_squeeze %dma_start3A_86 : memref<1x!tpu.dma_semaphore, #tpu.memory_space<semaphore_mem>> -> memref<!tpu.dma_semaphore, #tpu.memory_space<semaphore_mem>>
    %dma_start3A_88 = arith.constant 0 : i32
    %dma_start3A_89 = arith.constant 0 : i32
    %dma_start3A_90 = arith.constant 0 : i32
    %dma_start3A_91 = arith.constant 0 : i32
    %dma_start3A_92 = tpu.memref_slice %arg10[%dma_start3A_84, %dma_start3A_88, %dma_start3A_89, %dma_start3A_90, %dma_start3A_91] : memref<8x3x3x64x64xf32, #tpu.memory_space<vmem>> -> memref<1x3x3x64x64xf32, #tpu.memory_space<vmem>>
    %dma_start3A_93 = tpu.memref_squeeze %dma_start3A_92 : memref<1x3x3x64x64xf32, #tpu.memory_space<vmem>> -> memref<3x3x64x64xf32, #tpu.memory_space<vmem>>
    %dma_start3A_94 = arith.constant 0 : i32
    %dma_start3A_95 = arith.constant 0 : i32
    %dma_start3A_96 = tpu.memref_slice %arg7[%get3A_79, %get3A_81, %get3A_83, %dma_start3A_94, %dma_start3A_95] : memref<4x36x36x64x64xf32, #tpu.memory_space<any>> -> memref<1x3x3x64x64xf32, #tpu.memory_space<any>>
    %dma_start3A_97 = tpu.memref_squeeze %dma_start3A_96 : memref<1x3x3x64x64xf32, #tpu.memory_space<any>> -> memref<3x3x64x64xf32, #tpu.memory_space<any>>
    tpu.enqueue_dma source(%dma_start3A_97 : memref<3x3x64x64xf32, #tpu.memory_space<any>>) target(%dma_start3A_93 : memref<3x3x64x64xf32, #tpu.memory_space<vmem>>) target_semaphore(%dma_start3A_87 : memref<!tpu.dma_semaphore, #tpu.memory_space<semaphore_mem>>)
    %get3A_98 = arith.constant 5 : index
    %get3A_99 = memref.load %arg1[%get3A_98] : memref<48xi32, #tpu.memory_space<smem>>
    %get3A_100 = arith.constant 5 : index
    %get3A_101 = memref.load %arg2[%get3A_100] : memref<48xi32, #tpu.memory_space<smem>>
    %get3A_102 = arith.constant 5 : index
    %get3A_103 = memref.load %arg3[%get3A_102] : memref<48xi32, #tpu.memory_space<smem>>
    %dma_start3A_104 = arith.constant 5 : i32
    %dma_start3A_105 = arith.constant 5 : i32
    %dma_start3A_106 = tpu.memref_slice %arg11[%dma_start3A_105] : memref<8x!tpu.dma_semaphore, #tpu.memory_space<semaphore_mem>> -> memref<1x!tpu.dma_semaphore, #tpu.memory_space<semaphore_mem>>
    %dma_start3A_107 = tpu.memref_squeeze %dma_start3A_106 : memref<1x!tpu.dma_semaphore, #tpu.memory_space<semaphore_mem>> -> memref<!tpu.dma_semaphore, #tpu.memory_space<semaphore_mem>>
    %dma_start3A_108 = arith.constant 0 : i32
    %dma_start3A_109 = arith.constant 0 : i32
    %dma_start3A_110 = arith.constant 0 : i32
    %dma_start3A_111 = arith.constant 0 : i32
    %dma_start3A_112 = tpu.memref_slice %arg10[%dma_start3A_104, %dma_start3A_108, %dma_start3A_109, %dma_start3A_110, %dma_start3A_111] : memref<8x3x3x64x64xf32, #tpu.memory_space<vmem>> -> memref<1x3x3x64x64xf32, #tpu.memory_space<vmem>>
    %dma_start3A_113 = tpu.memref_squeeze %dma_start3A_112 : memref<1x3x3x64x64xf32, #tpu.memory_space<vmem>> -> memref<3x3x64x64xf32, #tpu.memory_space<vmem>>
    %dma_start3A_114 = arith.constant 0 : i32
    %dma_start3A_115 = arith.constant 0 : i32
    %dma_start3A_116 = tpu.memref_slice %arg7[%get3A_99, %get3A_101, %get3A_103, %dma_start3A_114, %dma_start3A_115] : memref<4x36x36x64x64xf32, #tpu.memory_space<any>> -> memref<1x3x3x64x64xf32, #tpu.memory_space<any>>
    %dma_start3A_117 = tpu.memref_squeeze %dma_start3A_116 : memref<1x3x3x64x64xf32, #tpu.memory_space<any>> -> memref<3x3x64x64xf32, #tpu.memory_space<any>>
    tpu.enqueue_dma source(%dma_start3A_117 : memref<3x3x64x64xf32, #tpu.memory_space<any>>) target(%dma_start3A_113 : memref<3x3x64x64xf32, #tpu.memory_space<vmem>>) target_semaphore(%dma_start3A_107 : memref<!tpu.dma_semaphore, #tpu.memory_space<semaphore_mem>>)
    %get3A_118 = arith.constant 6 : index
    %get3A_119 = memref.load %arg1[%get3A_118] : memref<48xi32, #tpu.memory_space<smem>>
    %get3A_120 = arith.constant 6 : index
    %get3A_121 = memref.load %arg2[%get3A_120] : memref<48xi32, #tpu.memory_space<smem>>
    %get3A_122 = arith.constant 6 : index
    %get3A_123 = memref.load %arg3[%get3A_122] : memref<48xi32, #tpu.memory_space<smem>>
    %dma_start3A_124 = arith.constant 6 : i32
    %dma_start3A_125 = arith.constant 6 : i32
    %dma_start3A_126 = tpu.memref_slice %arg11[%dma_start3A_125] : memref<8x!tpu.dma_semaphore, #tpu.memory_space<semaphore_mem>> -> memref<1x!tpu.dma_semaphore, #tpu.memory_space<semaphore_mem>>
    %dma_start3A_127 = tpu.memref_squeeze %dma_start3A_126 : memref<1x!tpu.dma_semaphore, #tpu.memory_space<semaphore_mem>> -> memref<!tpu.dma_semaphore, #tpu.memory_space<semaphore_mem>>
    %dma_start3A_128 = arith.constant 0 : i32
    %dma_start3A_129 = arith.constant 0 : i32
    %dma_start3A_130 = arith.constant 0 : i32
    %dma_start3A_131 = arith.constant 0 : i32
    %dma_start3A_132 = tpu.memref_slice %arg10[%dma_start3A_124, %dma_start3A_128, %dma_start3A_129, %dma_start3A_130, %dma_start3A_131] : memref<8x3x3x64x64xf32, #tpu.memory_space<vmem>> -> memref<1x3x3x64x64xf32, #tpu.memory_space<vmem>>
    %dma_start3A_133 = tpu.memref_squeeze %dma_start3A_132 : memref<1x3x3x64x64xf32, #tpu.memory_space<vmem>> -> memref<3x3x64x64xf32, #tpu.memory_space<vmem>>
    %dma_start3A_134 = arith.constant 0 : i32
    %dma_start3A_135 = arith.constant 0 : i32
    %dma_start3A_136 = tpu.memref_slice %arg7[%get3A_119, %get3A_121, %get3A_123, %dma_start3A_134, %dma_start3A_135] : memref<4x36x36x64x64xf32, #tpu.memory_space<any>> -> memref<1x3x3x64x64xf32, #tpu.memory_space<any>>
    %dma_start3A_137 = tpu.memref_squeeze %dma_start3A_136 : memref<1x3x3x64x64xf32, #tpu.memory_space<any>> -> memref<3x3x64x64xf32, #tpu.memory_space<any>>
    tpu.enqueue_dma source(%dma_start3A_137 : memref<3x3x64x64xf32, #tpu.memory_space<any>>) target(%dma_start3A_133 : memref<3x3x64x64xf32, #tpu.memory_space<vmem>>) target_semaphore(%dma_start3A_127 : memref<!tpu.dma_semaphore, #tpu.memory_space<semaphore_mem>>)
    %get3A_138 = arith.constant 7 : index
    %get3A_139 = memref.load %arg1[%get3A_138] : memref<48xi32, #tpu.memory_space<smem>>
    %get3A_140 = arith.constant 7 : index
    %get3A_141 = memref.load %arg2[%get3A_140] : memref<48xi32, #tpu.memory_space<smem>>
    %get3A_142 = arith.constant 7 : index
    %get3A_143 = memref.load %arg3[%get3A_142] : memref<48xi32, #tpu.memory_space<smem>>
    %dma_start3A_144 = arith.constant 7 : i32
    %dma_start3A_145 = arith.constant 7 : i32
    %dma_start3A_146 = tpu.memref_slice %arg11[%dma_start3A_145] : memref<8x!tpu.dma_semaphore, #tpu.memory_space<semaphore_mem>> -> memref<1x!tpu.dma_semaphore, #tpu.memory_space<semaphore_mem>>
    %dma_start3A_147 = tpu.memref_squeeze %dma_start3A_146 : memref<1x!tpu.dma_semaphore, #tpu.memory_space<semaphore_mem>> -> memref<!tpu.dma_semaphore, #tpu.memory_space<semaphore_mem>>
    %dma_start3A_148 = arith.constant 0 : i32
    %dma_start3A_149 = arith.constant 0 : i32
    %dma_start3A_150 = arith.constant 0 : i32
    %dma_start3A_151 = arith.constant 0 : i32
    %dma_start3A_152 = tpu.memref_slice %arg10[%dma_start3A_144, %dma_start3A_148, %dma_start3A_149, %dma_start3A_150, %dma_start3A_151] : memref<8x3x3x64x64xf32, #tpu.memory_space<vmem>> -> memref<1x3x3x64x64xf32, #tpu.memory_space<vmem>>
    %dma_start3A_153 = tpu.memref_squeeze %dma_start3A_152 : memref<1x3x3x64x64xf32, #tpu.memory_space<vmem>> -> memref<3x3x64x64xf32, #tpu.memory_space<vmem>>
    %dma_start3A_154 = arith.constant 0 : i32
    %dma_start3A_155 = arith.constant 0 : i32
    %dma_start3A_156 = tpu.memref_slice %arg7[%get3A_139, %get3A_141, %get3A_143, %dma_start3A_154, %dma_start3A_155] : memref<4x36x36x64x64xf32, #tpu.memory_space<any>> -> memref<1x3x3x64x64xf32, #tpu.memory_space<any>>
    %dma_start3A_157 = tpu.memref_squeeze %dma_start3A_156 : memref<1x3x3x64x64xf32, #tpu.memory_space<any>> -> memref<3x3x64x64xf32, #tpu.memory_space<any>>
    tpu.enqueue_dma source(%dma_start3A_157 : memref<3x3x64x64xf32, #tpu.memory_space<any>>) target(%dma_start3A_153 : memref<3x3x64x64xf32, #tpu.memory_space<vmem>>) target_semaphore(%dma_start3A_147 : memref<!tpu.dma_semaphore, #tpu.memory_space<semaphore_mem>>)
    %iota3A = tpu.iota {dimensions = array<i32: 1>} : vector<1x128xi32>
    %broadcast_in_dim3A = arith.constant 0.000000e+00 : f32
    %broadcast_in_dim3A_158 = vector.broadcast %broadcast_in_dim3A : f32 to vector<1x128xf32>
    %scan3A = arith.constant 0 : i32
    %scan3A_159 = arith.constant 48 : i32
    %scan3A_160 = arith.addi %scan3A, %scan3A_159 : i32
    %scan3A_161 = arith.constant 1 : i32
    %scan3A_162 = scf.for %scan3A_166 = %scan3A to %scan3A_160 step %scan3A_161 iter_args(%scan3A_167 = %broadcast_in_dim3A_158) -> (vector<1x128xf32>)  : i32 {
      %rem3A = arith.constant 8 : i32
      %rem3A_168 = arith.remsi %scan3A_166, %rem3A : i32
      %get3A_169 = arith.index_cast %scan3A_166 : i32 to index
      %get3A_170 = memref.load %arg1[%get3A_169] : memref<48xi32, #tpu.memory_space<smem>>
      %get3A_171 = arith.index_cast %scan3A_166 : i32 to index
      %get3A_172 = memref.load %arg2[%get3A_171] : memref<48xi32, #tpu.memory_space<smem>>
      %get3A_173 = arith.index_cast %scan3A_166 : i32 to index
      %get3A_174 = memref.load %arg3[%get3A_173] : memref<48xi32, #tpu.memory_space<smem>>
      %dma_wait3A = tpu.memref_slice %arg11[%rem3A_168] : memref<8x!tpu.dma_semaphore, #tpu.memory_space<semaphore_mem>> -> memref<1x!tpu.dma_semaphore, #tpu.memory_space<semaphore_mem>>
      %dma_wait3A_175 = tpu.memref_squeeze %dma_wait3A : memref<1x!tpu.dma_semaphore, #tpu.memory_space<semaphore_mem>> -> memref<!tpu.dma_semaphore, #tpu.memory_space<semaphore_mem>>
      %dma_wait3A_176 = arith.constant 0 : i32
      %dma_wait3A_177 = arith.constant 0 : i32
      %dma_wait3A_178 = arith.constant 0 : i32
      %dma_wait3A_179 = arith.constant 0 : i32
      %dma_wait3A_180 = tpu.memref_slice %arg10[%rem3A_168, %dma_wait3A_176, %dma_wait3A_177, %dma_wait3A_178, %dma_wait3A_179] : memref<8x3x3x64x64xf32, #tpu.memory_space<vmem>> -> memref<1x3x3x64x64xf32, #tpu.memory_space<vmem>>
      %dma_wait3A_181 = tpu.memref_squeeze %dma_wait3A_180 : memref<1x3x3x64x64xf32, #tpu.memory_space<vmem>> -> memref<3x3x64x64xf32, #tpu.memory_space<vmem>>
      %dma_wait3A_182 = arith.constant 0 : i32
      %dma_wait3A_183 = arith.constant 0 : i32
      %dma_wait3A_184 = tpu.memref_slice %arg7[%get3A_170, %get3A_172, %get3A_174, %dma_wait3A_182, %dma_wait3A_183] : memref<4x36x36x64x64xf32, #tpu.memory_space<any>> -> memref<1x3x3x64x64xf32, #tpu.memory_space<any>>
      %dma_wait3A_185 = tpu.memref_squeeze %dma_wait3A_184 : memref<1x3x3x64x64xf32, #tpu.memory_space<any>> -> memref<3x3x64x64xf32, #tpu.memory_space<any>>
      tpu.wait_dma2 semaphore(%dma_wait3A_175 : memref<!tpu.dma_semaphore, #tpu.memory_space<semaphore_mem>>) src(%dma_wait3A_185 : memref<3x3x64x64xf32, #tpu.memory_space<any>>) dst(%dma_wait3A_181 : memref<3x3x64x64xf32, #tpu.memory_space<vmem>>)
      %get3A_186 = arith.index_cast %scan3A_166 : i32 to index
      %get3A_187 = arith.constant 0 : index
      %get3A_188 = arith.constant 0 : index
      %get3A_189 = vector.load %arg8[%get3A_186, %get3A_187, %get3A_188] : memref<48x64x64xf32, #tpu.memory_space<vmem>>, vector<1x64x64xf32>
      %get3A_190 = vector.shape_cast %get3A_189 : vector<1x64x64xf32> to vector<64x64xf32>
      %mul3A = arith.mulf %get3A_190, %get3A_190 : vector<64x64xf32>
      %reduce_sum3A = vector.shape_cast %mul3A : vector<64x64xf32> to vector<1x64x64xf32>
      %reduce_sum3A_191 = arith.constant dense<0.000000e+00> : vector<1xf32>
      %reduce_sum3A_192 = vector.multi_reduction <add>, %reduce_sum3A, %reduce_sum3A_191 [1, 2] : vector<1x64x64xf32> to vector<1xf32>
      %reduce_sum3A_193 = vector.shape_cast %reduce_sum3A_192 : vector<1xf32> to vector<1x1x1xf32>
      %reduce_sum3A_194 = vector.extract %reduce_sum3A_193[0, 0, 0] : f32 from vector<1x1x1xf32>
      %add3A = arith.constant 9.99999974E-5 : f32
      %add3A_195 = arith.addf %reduce_sum3A_194, %add3A : f32
      %mul3A_196 = arith.constant 9 : i32
      %mul3A_197 = arith.muli %scan3A_166, %mul3A_196 : i32
      %add3A_198 = arith.constant 0 : i32
      %add3A_199 = arith.addi %mul3A_197, %add3A_198 : i32
      %get3A_200 = arith.index_cast %add3A_199 : i32 to index
      %get3A_201 = memref.load %arg4[%get3A_200] : memref<432xi32, #tpu.memory_space<smem>>
      %get3A_202 = arith.index_cast %add3A_199 : i32 to index
      %get3A_203 = memref.load %arg5[%get3A_202] : memref<432xi32, #tpu.memory_space<smem>>
      %get3A_204 = arith.index_cast %rem3A_168 : i32 to index
      %get3A_205 = arith.index_cast %get3A_201 : i32 to index
      %get3A_206 = arith.index_cast %get3A_203 : i32 to index
      %get3A_207 = arith.constant 0 : index
      %get3A_208 = arith.constant 0 : index
      %get3A_209 = vector.load %arg10[%get3A_204, %get3A_205, %get3A_206, %get3A_207, %get3A_208] : memref<8x3x3x64x64xf32, #tpu.memory_space<vmem>>, vector<1x1x1x64x64xf32>
      %get3A_210 = vector.shape_cast %get3A_209 : vector<1x1x1x64x64xf32> to vector<64x64xf32>
      %logistic3A = arith.negf %get3A_210 : vector<64x64xf32>
      %logistic3A_211 = math.exp %logistic3A : vector<64x64xf32>
      %logistic3A_212 = arith.constant 1.000000e+00 : f32
      %logistic3A_213 = vector.broadcast %logistic3A_212 : f32 to vector<64x64xf32>
      %logistic3A_214 = arith.addf %logistic3A_213, %logistic3A_211 : vector<64x64xf32>
      %logistic3A_215 = arith.divf %logistic3A_213, %logistic3A_214 : vector<64x64xf32>
      %mul3A_216 = arith.mulf %logistic3A_215, %get3A_190 : vector<64x64xf32>
      %reduce_sum3A_217 = vector.shape_cast %mul3A_216 : vector<64x64xf32> to vector<1x64x64xf32>
      %reduce_sum3A_218 = arith.constant dense<0.000000e+00> : vector<1xf32>
      %reduce_sum3A_219 = vector.multi_reduction <add>, %reduce_sum3A_217, %reduce_sum3A_218 [1, 2] : vector<1x64x64xf32> to vector<1xf32>
      %reduce_sum3A_220 = vector.shape_cast %reduce_sum3A_219 : vector<1xf32> to vector<1x1x1xf32>
      %reduce_sum3A_221 = vector.extract %reduce_sum3A_220[0, 0, 0] : f32 from vector<1x1x1xf32>
      %mul3A_222 = arith.mulf %logistic3A_215, %logistic3A_215 : vector<64x64xf32>
      %reduce_sum3A_223 = vector.shape_cast %mul3A_222 : vector<64x64xf32> to vector<1x64x64xf32>
      %reduce_sum3A_224 = arith.constant dense<0.000000e+00> : vector<1xf32>
      %reduce_sum3A_225 = vector.multi_reduction <add>, %reduce_sum3A_223, %reduce_sum3A_224 [1, 2] : vector<1x64x64xf32> to vector<1xf32>
      %reduce_sum3A_226 = vector.shape_cast %reduce_sum3A_225 : vector<1xf32> to vector<1x1x1xf32>
      %reduce_sum3A_227 = vector.extract %reduce_sum3A_226[0, 0, 0] : f32 from vector<1x1x1xf32>
      %add3A_228 = arith.constant 9.99999974E-5 : f32
      %add3A_229 = arith.addf %reduce_sum3A_227, %add3A_228 : f32
      %get3A_230 = arith.index_cast %add3A_199 : i32 to index
      %get3A_231 = memref.load %arg6[%get3A_230] : memref<432xi32, #tpu.memory_space<smem>>
      %gt3A = arith.constant 0 : i32
      %gt3A_232 = arith.cmpi sgt, %get3A_231, %gt3A : i32
      %convert_element_type3A = arith.extui %gt3A_232 : i1 to i32
      %convert_element_type3A_233 = arith.sitofp %convert_element_type3A : i32 to f32
      %mul3A_234 = arith.constant 2.000000e+00 : f32
      %mul3A_235 = arith.mulf %mul3A_234, %reduce_sum3A_221 : f32
      %add3A_236 = arith.addf %add3A_229, %add3A_195 : f32
      %div3A = arith.divf %mul3A_235, %add3A_236 : f32
      %sub3A = arith.constant 1.000000e+00 : f32
      %sub3A_237 = arith.subf %sub3A, %div3A : f32
      %mul3A_238 = arith.mulf %convert_element_type3A_233, %sub3A_237 : f32
      %eq3A = arith.constant 0 : i32
      %eq3A_239 = vector.broadcast %eq3A : i32 to vector<1x128xi32>
      %eq3A_240 = arith.cmpi eq, %iota3A, %eq3A_239 : vector<1x128xi32>
      %convert_element_type3A_241 = arith.extui %eq3A_240 : vector<1x128xi1> to vector<1x128xi32>
      %convert_element_type3A_242 = arith.sitofp %convert_element_type3A_241 : vector<1x128xi32> to vector<1x128xf32>
      %mul3A_243 = vector.broadcast %mul3A_238 : f32 to vector<1x128xf32>
      %mul3A_244 = arith.mulf %mul3A_243, %convert_element_type3A_242 : vector<1x128xf32>
      %add3A_245 = arith.addf %scan3A_167, %mul3A_244 : vector<1x128xf32>
      %eq3A_246 = arith.constant 1 : i32
      %eq3A_247 = vector.broadcast %eq3A_246 : i32 to vector<1x128xi32>
      %eq3A_248 = arith.cmpi eq, %iota3A, %eq3A_247 : vector<1x128xi32>
      %convert_element_type3A_249 = arith.extui %eq3A_248 : vector<1x128xi1> to vector<1x128xi32>
      %convert_element_type3A_250 = arith.sitofp %convert_element_type3A_249 : vector<1x128xi32> to vector<1x128xf32>
      %mul3A_251 = vector.broadcast %convert_element_type3A_233 : f32 to vector<1x128xf32>
      %mul3A_252 = arith.mulf %mul3A_251, %convert_element_type3A_250 : vector<1x128xf32>
      %add3A_253 = arith.addf %add3A_245, %mul3A_252 : vector<1x128xf32>
      %mul3A_254 = arith.constant 9 : i32
      %mul3A_255 = arith.muli %scan3A_166, %mul3A_254 : i32
      %add3A_256 = arith.constant 1 : i32
      %add3A_257 = arith.addi %mul3A_255, %add3A_256 : i32
      %get3A_258 = arith.index_cast %add3A_257 : i32 to index
      %get3A_259 = memref.load %arg4[%get3A_258] : memref<432xi32, #tpu.memory_space<smem>>
      %get3A_260 = arith.index_cast %add3A_257 : i32 to index
      %get3A_261 = memref.load %arg5[%get3A_260] : memref<432xi32, #tpu.memory_space<smem>>
      %get3A_262 = arith.index_cast %rem3A_168 : i32 to index
      %get3A_263 = arith.index_cast %get3A_259 : i32 to index
      %get3A_264 = arith.index_cast %get3A_261 : i32 to index
      %get3A_265 = arith.constant 0 : index
      %get3A_266 = arith.constant 0 : index
      %get3A_267 = vector.load %arg10[%get3A_262, %get3A_263, %get3A_264, %get3A_265, %get3A_266] : memref<8x3x3x64x64xf32, #tpu.memory_space<vmem>>, vector<1x1x1x64x64xf32>
      %get3A_268 = vector.shape_cast %get3A_267 : vector<1x1x1x64x64xf32> to vector<64x64xf32>
      %logistic3A_269 = arith.negf %get3A_268 : vector<64x64xf32>
      %logistic3A_270 = math.exp %logistic3A_269 : vector<64x64xf32>
      %logistic3A_271 = arith.constant 1.000000e+00 : f32
      %logistic3A_272 = vector.broadcast %logistic3A_271 : f32 to vector<64x64xf32>
      %logistic3A_273 = arith.addf %logistic3A_272, %logistic3A_270 : vector<64x64xf32>
      %logistic3A_274 = arith.divf %logistic3A_272, %logistic3A_273 : vector<64x64xf32>
      %mul3A_275 = arith.mulf %logistic3A_274, %get3A_190 : vector<64x64xf32>
      %reduce_sum3A_276 = vector.shape_cast %mul3A_275 : vector<64x64xf32> to vector<1x64x64xf32>
      %reduce_sum3A_277 = arith.constant dense<0.000000e+00> : vector<1xf32>
      %reduce_sum3A_278 = vector.multi_reduction <add>, %reduce_sum3A_276, %reduce_sum3A_277 [1, 2] : vector<1x64x64xf32> to vector<1xf32>
      %reduce_sum3A_279 = vector.shape_cast %reduce_sum3A_278 : vector<1xf32> to vector<1x1x1xf32>
      %reduce_sum3A_280 = vector.extract %reduce_sum3A_279[0, 0, 0] : f32 from vector<1x1x1xf32>
      %mul3A_281 = arith.mulf %logistic3A_274, %logistic3A_274 : vector<64x64xf32>
      %reduce_sum3A_282 = vector.shape_cast %mul3A_281 : vector<64x64xf32> to vector<1x64x64xf32>
      %reduce_sum3A_283 = arith.constant dense<0.000000e+00> : vector<1xf32>
      %reduce_sum3A_284 = vector.multi_reduction <add>, %reduce_sum3A_282, %reduce_sum3A_283 [1, 2] : vector<1x64x64xf32> to vector<1xf32>
      %reduce_sum3A_285 = vector.shape_cast %reduce_sum3A_284 : vector<1xf32> to vector<1x1x1xf32>
      %reduce_sum3A_286 = vector.extract %reduce_sum3A_285[0, 0, 0] : f32 from vector<1x1x1xf32>
      %add3A_287 = arith.constant 9.99999974E-5 : f32
      %add3A_288 = arith.addf %reduce_sum3A_286, %add3A_287 : f32
      %get3A_289 = arith.index_cast %add3A_257 : i32 to index
      %get3A_290 = memref.load %arg6[%get3A_289] : memref<432xi32, #tpu.memory_space<smem>>
      %gt3A_291 = arith.constant 0 : i32
      %gt3A_292 = arith.cmpi sgt, %get3A_290, %gt3A_291 : i32
      %convert_element_type3A_293 = arith.extui %gt3A_292 : i1 to i32
      %convert_element_type3A_294 = arith.sitofp %convert_element_type3A_293 : i32 to f32
      %mul3A_295 = arith.constant 2.000000e+00 : f32
      %mul3A_296 = arith.mulf %mul3A_295, %reduce_sum3A_280 : f32
      %add3A_297 = arith.addf %add3A_288, %add3A_195 : f32
      %div3A_298 = arith.divf %mul3A_296, %add3A_297 : f32
      %sub3A_299 = arith.constant 1.000000e+00 : f32
      %sub3A_300 = arith.subf %sub3A_299, %div3A_298 : f32
      %mul3A_301 = arith.mulf %convert_element_type3A_294, %sub3A_300 : f32
      %eq3A_302 = arith.constant 0 : i32
      %eq3A_303 = vector.broadcast %eq3A_302 : i32 to vector<1x128xi32>
      %eq3A_304 = arith.cmpi eq, %iota3A, %eq3A_303 : vector<1x128xi32>
      %convert_element_type3A_305 = arith.extui %eq3A_304 : vector<1x128xi1> to vector<1x128xi32>
      %convert_element_type3A_306 = arith.sitofp %convert_element_type3A_305 : vector<1x128xi32> to vector<1x128xf32>
      %mul3A_307 = vector.broadcast %mul3A_301 : f32 to vector<1x128xf32>
      %mul3A_308 = arith.mulf %mul3A_307, %convert_element_type3A_306 : vector<1x128xf32>
      %add3A_309 = arith.addf %add3A_253, %mul3A_308 : vector<1x128xf32>
      %eq3A_310 = arith.constant 1 : i32
      %eq3A_311 = vector.broadcast %eq3A_310 : i32 to vector<1x128xi32>
      %eq3A_312 = arith.cmpi eq, %iota3A, %eq3A_311 : vector<1x128xi32>
      %convert_element_type3A_313 = arith.extui %eq3A_312 : vector<1x128xi1> to vector<1x128xi32>
      %convert_element_type3A_314 = arith.sitofp %convert_element_type3A_313 : vector<1x128xi32> to vector<1x128xf32>
      %mul3A_315 = vector.broadcast %convert_element_type3A_294 : f32 to vector<1x128xf32>
      %mul3A_316 = arith.mulf %mul3A_315, %convert_element_type3A_314 : vector<1x128xf32>
      %add3A_317 = arith.addf %add3A_309, %mul3A_316 : vector<1x128xf32>
      %mul3A_318 = arith.constant 9 : i32
      %mul3A_319 = arith.muli %scan3A_166, %mul3A_318 : i32
      %add3A_320 = arith.constant 2 : i32
      %add3A_321 = arith.addi %mul3A_319, %add3A_320 : i32
      %get3A_322 = arith.index_cast %add3A_321 : i32 to index
      %get3A_323 = memref.load %arg4[%get3A_322] : memref<432xi32, #tpu.memory_space<smem>>
      %get3A_324 = arith.index_cast %add3A_321 : i32 to index
      %get3A_325 = memref.load %arg5[%get3A_324] : memref<432xi32, #tpu.memory_space<smem>>
      %get3A_326 = arith.index_cast %rem3A_168 : i32 to index
      %get3A_327 = arith.index_cast %get3A_323 : i32 to index
      %get3A_328 = arith.index_cast %get3A_325 : i32 to index
      %get3A_329 = arith.constant 0 : index
      %get3A_330 = arith.constant 0 : index
      %get3A_331 = vector.load %arg10[%get3A_326, %get3A_327, %get3A_328, %get3A_329, %get3A_330] : memref<8x3x3x64x64xf32, #tpu.memory_space<vmem>>, vector<1x1x1x64x64xf32>
      %get3A_332 = vector.shape_cast %get3A_331 : vector<1x1x1x64x64xf32> to vector<64x64xf32>
      %logistic3A_333 = arith.negf %get3A_332 : vector<64x64xf32>
      %logistic3A_334 = math.exp %logistic3A_333 : vector<64x64xf32>
      %logistic3A_335 = arith.constant 1.000000e+00 : f32
      %logistic3A_336 = vector.broadcast %logistic3A_335 : f32 to vector<64x64xf32>
      %logistic3A_337 = arith.addf %logistic3A_336, %logistic3A_334 : vector<64x64xf32>
      %logistic3A_338 = arith.divf %logistic3A_336, %logistic3A_337 : vector<64x64xf32>
      %mul3A_339 = arith.mulf %logistic3A_338, %get3A_190 : vector<64x64xf32>
      %reduce_sum3A_340 = vector.shape_cast %mul3A_339 : vector<64x64xf32> to vector<1x64x64xf32>
      %reduce_sum3A_341 = arith.constant dense<0.000000e+00> : vector<1xf32>
      %reduce_sum3A_342 = vector.multi_reduction <add>, %reduce_sum3A_340, %reduce_sum3A_341 [1, 2] : vector<1x64x64xf32> to vector<1xf32>
      %reduce_sum3A_343 = vector.shape_cast %reduce_sum3A_342 : vector<1xf32> to vector<1x1x1xf32>
      %reduce_sum3A_344 = vector.extract %reduce_sum3A_343[0, 0, 0] : f32 from vector<1x1x1xf32>
      %mul3A_345 = arith.mulf %logistic3A_338, %logistic3A_338 : vector<64x64xf32>
      %reduce_sum3A_346 = vector.shape_cast %mul3A_345 : vector<64x64xf32> to vector<1x64x64xf32>
      %reduce_sum3A_347 = arith.constant dense<0.000000e+00> : vector<1xf32>
      %reduce_sum3A_348 = vector.multi_reduction <add>, %reduce_sum3A_346, %reduce_sum3A_347 [1, 2] : vector<1x64x64xf32> to vector<1xf32>
      %reduce_sum3A_349 = vector.shape_cast %reduce_sum3A_348 : vector<1xf32> to vector<1x1x1xf32>
      %reduce_sum3A_350 = vector.extract %reduce_sum3A_349[0, 0, 0] : f32 from vector<1x1x1xf32>
      %add3A_351 = arith.constant 9.99999974E-5 : f32
      %add3A_352 = arith.addf %reduce_sum3A_350, %add3A_351 : f32
      %get3A_353 = arith.index_cast %add3A_321 : i32 to index
      %get3A_354 = memref.load %arg6[%get3A_353] : memref<432xi32, #tpu.memory_space<smem>>
      %gt3A_355 = arith.constant 0 : i32
      %gt3A_356 = arith.cmpi sgt, %get3A_354, %gt3A_355 : i32
      %convert_element_type3A_357 = arith.extui %gt3A_356 : i1 to i32
      %convert_element_type3A_358 = arith.sitofp %convert_element_type3A_357 : i32 to f32
      %mul3A_359 = arith.constant 2.000000e+00 : f32
      %mul3A_360 = arith.mulf %mul3A_359, %reduce_sum3A_344 : f32
      %add3A_361 = arith.addf %add3A_352, %add3A_195 : f32
      %div3A_362 = arith.divf %mul3A_360, %add3A_361 : f32
      %sub3A_363 = arith.constant 1.000000e+00 : f32
      %sub3A_364 = arith.subf %sub3A_363, %div3A_362 : f32
      %mul3A_365 = arith.mulf %convert_element_type3A_358, %sub3A_364 : f32
      %eq3A_366 = arith.constant 0 : i32
      %eq3A_367 = vector.broadcast %eq3A_366 : i32 to vector<1x128xi32>
      %eq3A_368 = arith.cmpi eq, %iota3A, %eq3A_367 : vector<1x128xi32>
      %convert_element_type3A_369 = arith.extui %eq3A_368 : vector<1x128xi1> to vector<1x128xi32>
      %convert_element_type3A_370 = arith.sitofp %convert_element_type3A_369 : vector<1x128xi32> to vector<1x128xf32>
      %mul3A_371 = vector.broadcast %mul3A_365 : f32 to vector<1x128xf32>
      %mul3A_372 = arith.mulf %mul3A_371, %convert_element_type3A_370 : vector<1x128xf32>
      %add3A_373 = arith.addf %add3A_317, %mul3A_372 : vector<1x128xf32>
      %eq3A_374 = arith.constant 1 : i32
      %eq3A_375 = vector.broadcast %eq3A_374 : i32 to vector<1x128xi32>
      %eq3A_376 = arith.cmpi eq, %iota3A, %eq3A_375 : vector<1x128xi32>
      %convert_element_type3A_377 = arith.extui %eq3A_376 : vector<1x128xi1> to vector<1x128xi32>
      %convert_element_type3A_378 = arith.sitofp %convert_element_type3A_377 : vector<1x128xi32> to vector<1x128xf32>
      %mul3A_379 = vector.broadcast %convert_element_type3A_358 : f32 to vector<1x128xf32>
      %mul3A_380 = arith.mulf %mul3A_379, %convert_element_type3A_378 : vector<1x128xf32>
      %add3A_381 = arith.addf %add3A_373, %mul3A_380 : vector<1x128xf32>
      %mul3A_382 = arith.constant 9 : i32
      %mul3A_383 = arith.muli %scan3A_166, %mul3A_382 : i32
      %add3A_384 = arith.constant 3 : i32
      %add3A_385 = arith.addi %mul3A_383, %add3A_384 : i32
      %get3A_386 = arith.index_cast %add3A_385 : i32 to index
      %get3A_387 = memref.load %arg4[%get3A_386] : memref<432xi32, #tpu.memory_space<smem>>
      %get3A_388 = arith.index_cast %add3A_385 : i32 to index
      %get3A_389 = memref.load %arg5[%get3A_388] : memref<432xi32, #tpu.memory_space<smem>>
      %get3A_390 = arith.index_cast %rem3A_168 : i32 to index
      %get3A_391 = arith.index_cast %get3A_387 : i32 to index
      %get3A_392 = arith.index_cast %get3A_389 : i32 to index
      %get3A_393 = arith.constant 0 : index
      %get3A_394 = arith.constant 0 : index
      %get3A_395 = vector.load %arg10[%get3A_390, %get3A_391, %get3A_392, %get3A_393, %get3A_394] : memref<8x3x3x64x64xf32, #tpu.memory_space<vmem>>, vector<1x1x1x64x64xf32>
      %get3A_396 = vector.shape_cast %get3A_395 : vector<1x1x1x64x64xf32> to vector<64x64xf32>
      %logistic3A_397 = arith.negf %get3A_396 : vector<64x64xf32>
      %logistic3A_398 = math.exp %logistic3A_397 : vector<64x64xf32>
      %logistic3A_399 = arith.constant 1.000000e+00 : f32
      %logistic3A_400 = vector.broadcast %logistic3A_399 : f32 to vector<64x64xf32>
      %logistic3A_401 = arith.addf %logistic3A_400, %logistic3A_398 : vector<64x64xf32>
      %logistic3A_402 = arith.divf %logistic3A_400, %logistic3A_401 : vector<64x64xf32>
      %mul3A_403 = arith.mulf %logistic3A_402, %get3A_190 : vector<64x64xf32>
      %reduce_sum3A_404 = vector.shape_cast %mul3A_403 : vector<64x64xf32> to vector<1x64x64xf32>
      %reduce_sum3A_405 = arith.constant dense<0.000000e+00> : vector<1xf32>
      %reduce_sum3A_406 = vector.multi_reduction <add>, %reduce_sum3A_404, %reduce_sum3A_405 [1, 2] : vector<1x64x64xf32> to vector<1xf32>
      %reduce_sum3A_407 = vector.shape_cast %reduce_sum3A_406 : vector<1xf32> to vector<1x1x1xf32>
      %reduce_sum3A_408 = vector.extract %reduce_sum3A_407[0, 0, 0] : f32 from vector<1x1x1xf32>
      %mul3A_409 = arith.mulf %logistic3A_402, %logistic3A_402 : vector<64x64xf32>
      %reduce_sum3A_410 = vector.shape_cast %mul3A_409 : vector<64x64xf32> to vector<1x64x64xf32>
      %reduce_sum3A_411 = arith.constant dense<0.000000e+00> : vector<1xf32>
      %reduce_sum3A_412 = vector.multi_reduction <add>, %reduce_sum3A_410, %reduce_sum3A_411 [1, 2] : vector<1x64x64xf32> to vector<1xf32>
      %reduce_sum3A_413 = vector.shape_cast %reduce_sum3A_412 : vector<1xf32> to vector<1x1x1xf32>
      %reduce_sum3A_414 = vector.extract %reduce_sum3A_413[0, 0, 0] : f32 from vector<1x1x1xf32>
      %add3A_415 = arith.constant 9.99999974E-5 : f32
      %add3A_416 = arith.addf %reduce_sum3A_414, %add3A_415 : f32
      %get3A_417 = arith.index_cast %add3A_385 : i32 to index
      %get3A_418 = memref.load %arg6[%get3A_417] : memref<432xi32, #tpu.memory_space<smem>>
      %gt3A_419 = arith.constant 0 : i32
      %gt3A_420 = arith.cmpi sgt, %get3A_418, %gt3A_419 : i32
      %convert_element_type3A_421 = arith.extui %gt3A_420 : i1 to i32
      %convert_element_type3A_422 = arith.sitofp %convert_element_type3A_421 : i32 to f32
      %mul3A_423 = arith.constant 2.000000e+00 : f32
      %mul3A_424 = arith.mulf %mul3A_423, %reduce_sum3A_408 : f32
      %add3A_425 = arith.addf %add3A_416, %add3A_195 : f32
      %div3A_426 = arith.divf %mul3A_424, %add3A_425 : f32
      %sub3A_427 = arith.constant 1.000000e+00 : f32
      %sub3A_428 = arith.subf %sub3A_427, %div3A_426 : f32
      %mul3A_429 = arith.mulf %convert_element_type3A_422, %sub3A_428 : f32
      %eq3A_430 = arith.constant 0 : i32
      %eq3A_431 = vector.broadcast %eq3A_430 : i32 to vector<1x128xi32>
      %eq3A_432 = arith.cmpi eq, %iota3A, %eq3A_431 : vector<1x128xi32>
      %convert_element_type3A_433 = arith.extui %eq3A_432 : vector<1x128xi1> to vector<1x128xi32>
      %convert_element_type3A_434 = arith.sitofp %convert_element_type3A_433 : vector<1x128xi32> to vector<1x128xf32>
      %mul3A_435 = vector.broadcast %mul3A_429 : f32 to vector<1x128xf32>
      %mul3A_436 = arith.mulf %mul3A_435, %convert_element_type3A_434 : vector<1x128xf32>
      %add3A_437 = arith.addf %add3A_381, %mul3A_436 : vector<1x128xf32>
      %eq3A_438 = arith.constant 1 : i32
      %eq3A_439 = vector.broadcast %eq3A_438 : i32 to vector<1x128xi32>
      %eq3A_440 = arith.cmpi eq, %iota3A, %eq3A_439 : vector<1x128xi32>
      %convert_element_type3A_441 = arith.extui %eq3A_440 : vector<1x128xi1> to vector<1x128xi32>
      %convert_element_type3A_442 = arith.sitofp %convert_element_type3A_441 : vector<1x128xi32> to vector<1x128xf32>
      %mul3A_443 = vector.broadcast %convert_element_type3A_422 : f32 to vector<1x128xf32>
      %mul3A_444 = arith.mulf %mul3A_443, %convert_element_type3A_442 : vector<1x128xf32>
      %add3A_445 = arith.addf %add3A_437, %mul3A_444 : vector<1x128xf32>
      %mul3A_446 = arith.constant 9 : i32
      %mul3A_447 = arith.muli %scan3A_166, %mul3A_446 : i32
      %add3A_448 = arith.constant 4 : i32
      %add3A_449 = arith.addi %mul3A_447, %add3A_448 : i32
      %get3A_450 = arith.index_cast %add3A_449 : i32 to index
      %get3A_451 = memref.load %arg4[%get3A_450] : memref<432xi32, #tpu.memory_space<smem>>
      %get3A_452 = arith.index_cast %add3A_449 : i32 to index
      %get3A_453 = memref.load %arg5[%get3A_452] : memref<432xi32, #tpu.memory_space<smem>>
      %get3A_454 = arith.index_cast %rem3A_168 : i32 to index
      %get3A_455 = arith.index_cast %get3A_451 : i32 to index
      %get3A_456 = arith.index_cast %get3A_453 : i32 to index
      %get3A_457 = arith.constant 0 : index
      %get3A_458 = arith.constant 0 : index
      %get3A_459 = vector.load %arg10[%get3A_454, %get3A_455, %get3A_456, %get3A_457, %get3A_458] : memref<8x3x3x64x64xf32, #tpu.memory_space<vmem>>, vector<1x1x1x64x64xf32>
      %get3A_460 = vector.shape_cast %get3A_459 : vector<1x1x1x64x64xf32> to vector<64x64xf32>
      %logistic3A_461 = arith.negf %get3A_460 : vector<64x64xf32>
      %logistic3A_462 = math.exp %logistic3A_461 : vector<64x64xf32>
      %logistic3A_463 = arith.constant 1.000000e+00 : f32
      %logistic3A_464 = vector.broadcast %logistic3A_463 : f32 to vector<64x64xf32>
      %logistic3A_465 = arith.addf %logistic3A_464, %logistic3A_462 : vector<64x64xf32>
      %logistic3A_466 = arith.divf %logistic3A_464, %logistic3A_465 : vector<64x64xf32>
      %mul3A_467 = arith.mulf %logistic3A_466, %get3A_190 : vector<64x64xf32>
      %reduce_sum3A_468 = vector.shape_cast %mul3A_467 : vector<64x64xf32> to vector<1x64x64xf32>
      %reduce_sum3A_469 = arith.constant dense<0.000000e+00> : vector<1xf32>
      %reduce_sum3A_470 = vector.multi_reduction <add>, %reduce_sum3A_468, %reduce_sum3A_469 [1, 2] : vector<1x64x64xf32> to vector<1xf32>
      %reduce_sum3A_471 = vector.shape_cast %reduce_sum3A_470 : vector<1xf32> to vector<1x1x1xf32>
      %reduce_sum3A_472 = vector.extract %reduce_sum3A_471[0, 0, 0] : f32 from vector<1x1x1xf32>
      %mul3A_473 = arith.mulf %logistic3A_466, %logistic3A_466 : vector<64x64xf32>
      %reduce_sum3A_474 = vector.shape_cast %mul3A_473 : vector<64x64xf32> to vector<1x64x64xf32>
      %reduce_sum3A_475 = arith.constant dense<0.000000e+00> : vector<1xf32>
      %reduce_sum3A_476 = vector.multi_reduction <add>, %reduce_sum3A_474, %reduce_sum3A_475 [1, 2] : vector<1x64x64xf32> to vector<1xf32>
      %reduce_sum3A_477 = vector.shape_cast %reduce_sum3A_476 : vector<1xf32> to vector<1x1x1xf32>
      %reduce_sum3A_478 = vector.extract %reduce_sum3A_477[0, 0, 0] : f32 from vector<1x1x1xf32>
      %add3A_479 = arith.constant 9.99999974E-5 : f32
      %add3A_480 = arith.addf %reduce_sum3A_478, %add3A_479 : f32
      %get3A_481 = arith.index_cast %add3A_449 : i32 to index
      %get3A_482 = memref.load %arg6[%get3A_481] : memref<432xi32, #tpu.memory_space<smem>>
      %gt3A_483 = arith.constant 0 : i32
      %gt3A_484 = arith.cmpi sgt, %get3A_482, %gt3A_483 : i32
      %convert_element_type3A_485 = arith.extui %gt3A_484 : i1 to i32
      %convert_element_type3A_486 = arith.sitofp %convert_element_type3A_485 : i32 to f32
      %mul3A_487 = arith.constant 2.000000e+00 : f32
      %mul3A_488 = arith.mulf %mul3A_487, %reduce_sum3A_472 : f32
      %add3A_489 = arith.addf %add3A_480, %add3A_195 : f32
      %div3A_490 = arith.divf %mul3A_488, %add3A_489 : f32
      %sub3A_491 = arith.constant 1.000000e+00 : f32
      %sub3A_492 = arith.subf %sub3A_491, %div3A_490 : f32
      %mul3A_493 = arith.mulf %convert_element_type3A_486, %sub3A_492 : f32
      %eq3A_494 = arith.constant 0 : i32
      %eq3A_495 = vector.broadcast %eq3A_494 : i32 to vector<1x128xi32>
      %eq3A_496 = arith.cmpi eq, %iota3A, %eq3A_495 : vector<1x128xi32>
      %convert_element_type3A_497 = arith.extui %eq3A_496 : vector<1x128xi1> to vector<1x128xi32>
      %convert_element_type3A_498 = arith.sitofp %convert_element_type3A_497 : vector<1x128xi32> to vector<1x128xf32>
      %mul3A_499 = vector.broadcast %mul3A_493 : f32 to vector<1x128xf32>
      %mul3A_500 = arith.mulf %mul3A_499, %convert_element_type3A_498 : vector<1x128xf32>
      %add3A_501 = arith.addf %add3A_445, %mul3A_500 : vector<1x128xf32>
      %eq3A_502 = arith.constant 1 : i32
      %eq3A_503 = vector.broadcast %eq3A_502 : i32 to vector<1x128xi32>
      %eq3A_504 = arith.cmpi eq, %iota3A, %eq3A_503 : vector<1x128xi32>
      %convert_element_type3A_505 = arith.extui %eq3A_504 : vector<1x128xi1> to vector<1x128xi32>
      %convert_element_type3A_506 = arith.sitofp %convert_element_type3A_505 : vector<1x128xi32> to vector<1x128xf32>
      %mul3A_507 = vector.broadcast %convert_element_type3A_486 : f32 to vector<1x128xf32>
      %mul3A_508 = arith.mulf %mul3A_507, %convert_element_type3A_506 : vector<1x128xf32>
      %add3A_509 = arith.addf %add3A_501, %mul3A_508 : vector<1x128xf32>
      %mul3A_510 = arith.constant 9 : i32
      %mul3A_511 = arith.muli %scan3A_166, %mul3A_510 : i32
      %add3A_512 = arith.constant 5 : i32
      %add3A_513 = arith.addi %mul3A_511, %add3A_512 : i32
      %get3A_514 = arith.index_cast %add3A_513 : i32 to index
      %get3A_515 = memref.load %arg4[%get3A_514] : memref<432xi32, #tpu.memory_space<smem>>
      %get3A_516 = arith.index_cast %add3A_513 : i32 to index
      %get3A_517 = memref.load %arg5[%get3A_516] : memref<432xi32, #tpu.memory_space<smem>>
      %get3A_518 = arith.index_cast %rem3A_168 : i32 to index
      %get3A_519 = arith.index_cast %get3A_515 : i32 to index
      %get3A_520 = arith.index_cast %get3A_517 : i32 to index
      %get3A_521 = arith.constant 0 : index
      %get3A_522 = arith.constant 0 : index
      %get3A_523 = vector.load %arg10[%get3A_518, %get3A_519, %get3A_520, %get3A_521, %get3A_522] : memref<8x3x3x64x64xf32, #tpu.memory_space<vmem>>, vector<1x1x1x64x64xf32>
      %get3A_524 = vector.shape_cast %get3A_523 : vector<1x1x1x64x64xf32> to vector<64x64xf32>
      %logistic3A_525 = arith.negf %get3A_524 : vector<64x64xf32>
      %logistic3A_526 = math.exp %logistic3A_525 : vector<64x64xf32>
      %logistic3A_527 = arith.constant 1.000000e+00 : f32
      %logistic3A_528 = vector.broadcast %logistic3A_527 : f32 to vector<64x64xf32>
      %logistic3A_529 = arith.addf %logistic3A_528, %logistic3A_526 : vector<64x64xf32>
      %logistic3A_530 = arith.divf %logistic3A_528, %logistic3A_529 : vector<64x64xf32>
      %mul3A_531 = arith.mulf %logistic3A_530, %get3A_190 : vector<64x64xf32>
      %reduce_sum3A_532 = vector.shape_cast %mul3A_531 : vector<64x64xf32> to vector<1x64x64xf32>
      %reduce_sum3A_533 = arith.constant dense<0.000000e+00> : vector<1xf32>
      %reduce_sum3A_534 = vector.multi_reduction <add>, %reduce_sum3A_532, %reduce_sum3A_533 [1, 2] : vector<1x64x64xf32> to vector<1xf32>
      %reduce_sum3A_535 = vector.shape_cast %reduce_sum3A_534 : vector<1xf32> to vector<1x1x1xf32>
      %reduce_sum3A_536 = vector.extract %reduce_sum3A_535[0, 0, 0] : f32 from vector<1x1x1xf32>
      %mul3A_537 = arith.mulf %logistic3A_530, %logistic3A_530 : vector<64x64xf32>
      %reduce_sum3A_538 = vector.shape_cast %mul3A_537 : vector<64x64xf32> to vector<1x64x64xf32>
      %reduce_sum3A_539 = arith.constant dense<0.000000e+00> : vector<1xf32>
      %reduce_sum3A_540 = vector.multi_reduction <add>, %reduce_sum3A_538, %reduce_sum3A_539 [1, 2] : vector<1x64x64xf32> to vector<1xf32>
      %reduce_sum3A_541 = vector.shape_cast %reduce_sum3A_540 : vector<1xf32> to vector<1x1x1xf32>
      %reduce_sum3A_542 = vector.extract %reduce_sum3A_541[0, 0, 0] : f32 from vector<1x1x1xf32>
      %add3A_543 = arith.constant 9.99999974E-5 : f32
      %add3A_544 = arith.addf %reduce_sum3A_542, %add3A_543 : f32
      %get3A_545 = arith.index_cast %add3A_513 : i32 to index
      %get3A_546 = memref.load %arg6[%get3A_545] : memref<432xi32, #tpu.memory_space<smem>>
      %gt3A_547 = arith.constant 0 : i32
      %gt3A_548 = arith.cmpi sgt, %get3A_546, %gt3A_547 : i32
      %convert_element_type3A_549 = arith.extui %gt3A_548 : i1 to i32
      %convert_element_type3A_550 = arith.sitofp %convert_element_type3A_549 : i32 to f32
      %mul3A_551 = arith.constant 2.000000e+00 : f32
      %mul3A_552 = arith.mulf %mul3A_551, %reduce_sum3A_536 : f32
      %add3A_553 = arith.addf %add3A_544, %add3A_195 : f32
      %div3A_554 = arith.divf %mul3A_552, %add3A_553 : f32
      %sub3A_555 = arith.constant 1.000000e+00 : f32
      %sub3A_556 = arith.subf %sub3A_555, %div3A_554 : f32
      %mul3A_557 = arith.mulf %convert_element_type3A_550, %sub3A_556 : f32
      %eq3A_558 = arith.constant 0 : i32
      %eq3A_559 = vector.broadcast %eq3A_558 : i32 to vector<1x128xi32>
      %eq3A_560 = arith.cmpi eq, %iota3A, %eq3A_559 : vector<1x128xi32>
      %convert_element_type3A_561 = arith.extui %eq3A_560 : vector<1x128xi1> to vector<1x128xi32>
      %convert_element_type3A_562 = arith.sitofp %convert_element_type3A_561 : vector<1x128xi32> to vector<1x128xf32>
      %mul3A_563 = vector.broadcast %mul3A_557 : f32 to vector<1x128xf32>
      %mul3A_564 = arith.mulf %mul3A_563, %convert_element_type3A_562 : vector<1x128xf32>
      %add3A_565 = arith.addf %add3A_509, %mul3A_564 : vector<1x128xf32>
      %eq3A_566 = arith.constant 1 : i32
      %eq3A_567 = vector.broadcast %eq3A_566 : i32 to vector<1x128xi32>
      %eq3A_568 = arith.cmpi eq, %iota3A, %eq3A_567 : vector<1x128xi32>
      %convert_element_type3A_569 = arith.extui %eq3A_568 : vector<1x128xi1> to vector<1x128xi32>
      %convert_element_type3A_570 = arith.sitofp %convert_element_type3A_569 : vector<1x128xi32> to vector<1x128xf32>
      %mul3A_571 = vector.broadcast %convert_element_type3A_550 : f32 to vector<1x128xf32>
      %mul3A_572 = arith.mulf %mul3A_571, %convert_element_type3A_570 : vector<1x128xf32>
      %add3A_573 = arith.addf %add3A_565, %mul3A_572 : vector<1x128xf32>
      %mul3A_574 = arith.constant 9 : i32
      %mul3A_575 = arith.muli %scan3A_166, %mul3A_574 : i32
      %add3A_576 = arith.constant 6 : i32
      %add3A_577 = arith.addi %mul3A_575, %add3A_576 : i32
      %get3A_578 = arith.index_cast %add3A_577 : i32 to index
      %get3A_579 = memref.load %arg4[%get3A_578] : memref<432xi32, #tpu.memory_space<smem>>
      %get3A_580 = arith.index_cast %add3A_577 : i32 to index
      %get3A_581 = memref.load %arg5[%get3A_580] : memref<432xi32, #tpu.memory_space<smem>>
      %get3A_582 = arith.index_cast %rem3A_168 : i32 to index
      %get3A_583 = arith.index_cast %get3A_579 : i32 to index
      %get3A_584 = arith.index_cast %get3A_581 : i32 to index
      %get3A_585 = arith.constant 0 : index
      %get3A_586 = arith.constant 0 : index
      %get3A_587 = vector.load %arg10[%get3A_582, %get3A_583, %get3A_584, %get3A_585, %get3A_586] : memref<8x3x3x64x64xf32, #tpu.memory_space<vmem>>, vector<1x1x1x64x64xf32>
      %get3A_588 = vector.shape_cast %get3A_587 : vector<1x1x1x64x64xf32> to vector<64x64xf32>
      %logistic3A_589 = arith.negf %get3A_588 : vector<64x64xf32>
      %logistic3A_590 = math.exp %logistic3A_589 : vector<64x64xf32>
      %logistic3A_591 = arith.constant 1.000000e+00 : f32
      %logistic3A_592 = vector.broadcast %logistic3A_591 : f32 to vector<64x64xf32>
      %logistic3A_593 = arith.addf %logistic3A_592, %logistic3A_590 : vector<64x64xf32>
      %logistic3A_594 = arith.divf %logistic3A_592, %logistic3A_593 : vector<64x64xf32>
      %mul3A_595 = arith.mulf %logistic3A_594, %get3A_190 : vector<64x64xf32>
      %reduce_sum3A_596 = vector.shape_cast %mul3A_595 : vector<64x64xf32> to vector<1x64x64xf32>
      %reduce_sum3A_597 = arith.constant dense<0.000000e+00> : vector<1xf32>
      %reduce_sum3A_598 = vector.multi_reduction <add>, %reduce_sum3A_596, %reduce_sum3A_597 [1, 2] : vector<1x64x64xf32> to vector<1xf32>
      %reduce_sum3A_599 = vector.shape_cast %reduce_sum3A_598 : vector<1xf32> to vector<1x1x1xf32>
      %reduce_sum3A_600 = vector.extract %reduce_sum3A_599[0, 0, 0] : f32 from vector<1x1x1xf32>
      %mul3A_601 = arith.mulf %logistic3A_594, %logistic3A_594 : vector<64x64xf32>
      %reduce_sum3A_602 = vector.shape_cast %mul3A_601 : vector<64x64xf32> to vector<1x64x64xf32>
      %reduce_sum3A_603 = arith.constant dense<0.000000e+00> : vector<1xf32>
      %reduce_sum3A_604 = vector.multi_reduction <add>, %reduce_sum3A_602, %reduce_sum3A_603 [1, 2] : vector<1x64x64xf32> to vector<1xf32>
      %reduce_sum3A_605 = vector.shape_cast %reduce_sum3A_604 : vector<1xf32> to vector<1x1x1xf32>
      %reduce_sum3A_606 = vector.extract %reduce_sum3A_605[0, 0, 0] : f32 from vector<1x1x1xf32>
      %add3A_607 = arith.constant 9.99999974E-5 : f32
      %add3A_608 = arith.addf %reduce_sum3A_606, %add3A_607 : f32
      %get3A_609 = arith.index_cast %add3A_577 : i32 to index
      %get3A_610 = memref.load %arg6[%get3A_609] : memref<432xi32, #tpu.memory_space<smem>>
      %gt3A_611 = arith.constant 0 : i32
      %gt3A_612 = arith.cmpi sgt, %get3A_610, %gt3A_611 : i32
      %convert_element_type3A_613 = arith.extui %gt3A_612 : i1 to i32
      %convert_element_type3A_614 = arith.sitofp %convert_element_type3A_613 : i32 to f32
      %mul3A_615 = arith.constant 2.000000e+00 : f32
      %mul3A_616 = arith.mulf %mul3A_615, %reduce_sum3A_600 : f32
      %add3A_617 = arith.addf %add3A_608, %add3A_195 : f32
      %div3A_618 = arith.divf %mul3A_616, %add3A_617 : f32
      %sub3A_619 = arith.constant 1.000000e+00 : f32
      %sub3A_620 = arith.subf %sub3A_619, %div3A_618 : f32
      %mul3A_621 = arith.mulf %convert_element_type3A_614, %sub3A_620 : f32
      %eq3A_622 = arith.constant 0 : i32
      %eq3A_623 = vector.broadcast %eq3A_622 : i32 to vector<1x128xi32>
      %eq3A_624 = arith.cmpi eq, %iota3A, %eq3A_623 : vector<1x128xi32>
      %convert_element_type3A_625 = arith.extui %eq3A_624 : vector<1x128xi1> to vector<1x128xi32>
      %convert_element_type3A_626 = arith.sitofp %convert_element_type3A_625 : vector<1x128xi32> to vector<1x128xf32>
      %mul3A_627 = vector.broadcast %mul3A_621 : f32 to vector<1x128xf32>
      %mul3A_628 = arith.mulf %mul3A_627, %convert_element_type3A_626 : vector<1x128xf32>
      %add3A_629 = arith.addf %add3A_573, %mul3A_628 : vector<1x128xf32>
      %eq3A_630 = arith.constant 1 : i32
      %eq3A_631 = vector.broadcast %eq3A_630 : i32 to vector<1x128xi32>
      %eq3A_632 = arith.cmpi eq, %iota3A, %eq3A_631 : vector<1x128xi32>
      %convert_element_type3A_633 = arith.extui %eq3A_632 : vector<1x128xi1> to vector<1x128xi32>
      %convert_element_type3A_634 = arith.sitofp %convert_element_type3A_633 : vector<1x128xi32> to vector<1x128xf32>
      %mul3A_635 = vector.broadcast %convert_element_type3A_614 : f32 to vector<1x128xf32>
      %mul3A_636 = arith.mulf %mul3A_635, %convert_element_type3A_634 : vector<1x128xf32>
      %add3A_637 = arith.addf %add3A_629, %mul3A_636 : vector<1x128xf32>
      %mul3A_638 = arith.constant 9 : i32
      %mul3A_639 = arith.muli %scan3A_166, %mul3A_638 : i32
      %add3A_640 = arith.constant 7 : i32
      %add3A_641 = arith.addi %mul3A_639, %add3A_640 : i32
      %get3A_642 = arith.index_cast %add3A_641 : i32 to index
      %get3A_643 = memref.load %arg4[%get3A_642] : memref<432xi32, #tpu.memory_space<smem>>
      %get3A_644 = arith.index_cast %add3A_641 : i32 to index
      %get3A_645 = memref.load %arg5[%get3A_644] : memref<432xi32, #tpu.memory_space<smem>>
      %get3A_646 = arith.index_cast %rem3A_168 : i32 to index
      %get3A_647 = arith.index_cast %get3A_643 : i32 to index
      %get3A_648 = arith.index_cast %get3A_645 : i32 to index
      %get3A_649 = arith.constant 0 : index
      %get3A_650 = arith.constant 0 : index
      %get3A_651 = vector.load %arg10[%get3A_646, %get3A_647, %get3A_648, %get3A_649, %get3A_650] : memref<8x3x3x64x64xf32, #tpu.memory_space<vmem>>, vector<1x1x1x64x64xf32>
      %get3A_652 = vector.shape_cast %get3A_651 : vector<1x1x1x64x64xf32> to vector<64x64xf32>
      %logistic3A_653 = arith.negf %get3A_652 : vector<64x64xf32>
      %logistic3A_654 = math.exp %logistic3A_653 : vector<64x64xf32>
      %logistic3A_655 = arith.constant 1.000000e+00 : f32
      %logistic3A_656 = vector.broadcast %logistic3A_655 : f32 to vector<64x64xf32>
      %logistic3A_657 = arith.addf %logistic3A_656, %logistic3A_654 : vector<64x64xf32>
      %logistic3A_658 = arith.divf %logistic3A_656, %logistic3A_657 : vector<64x64xf32>
      %mul3A_659 = arith.mulf %logistic3A_658, %get3A_190 : vector<64x64xf32>
      %reduce_sum3A_660 = vector.shape_cast %mul3A_659 : vector<64x64xf32> to vector<1x64x64xf32>
      %reduce_sum3A_661 = arith.constant dense<0.000000e+00> : vector<1xf32>
      %reduce_sum3A_662 = vector.multi_reduction <add>, %reduce_sum3A_660, %reduce_sum3A_661 [1, 2] : vector<1x64x64xf32> to vector<1xf32>
      %reduce_sum3A_663 = vector.shape_cast %reduce_sum3A_662 : vector<1xf32> to vector<1x1x1xf32>
      %reduce_sum3A_664 = vector.extract %reduce_sum3A_663[0, 0, 0] : f32 from vector<1x1x1xf32>
      %mul3A_665 = arith.mulf %logistic3A_658, %logistic3A_658 : vector<64x64xf32>
      %reduce_sum3A_666 = vector.shape_cast %mul3A_665 : vector<64x64xf32> to vector<1x64x64xf32>
      %reduce_sum3A_667 = arith.constant dense<0.000000e+00> : vector<1xf32>
      %reduce_sum3A_668 = vector.multi_reduction <add>, %reduce_sum3A_666, %reduce_sum3A_667 [1, 2] : vector<1x64x64xf32> to vector<1xf32>
      %reduce_sum3A_669 = vector.shape_cast %reduce_sum3A_668 : vector<1xf32> to vector<1x1x1xf32>
      %reduce_sum3A_670 = vector.extract %reduce_sum3A_669[0, 0, 0] : f32 from vector<1x1x1xf32>
      %add3A_671 = arith.constant 9.99999974E-5 : f32
      %add3A_672 = arith.addf %reduce_sum3A_670, %add3A_671 : f32
      %get3A_673 = arith.index_cast %add3A_641 : i32 to index
      %get3A_674 = memref.load %arg6[%get3A_673] : memref<432xi32, #tpu.memory_space<smem>>
      %gt3A_675 = arith.constant 0 : i32
      %gt3A_676 = arith.cmpi sgt, %get3A_674, %gt3A_675 : i32
      %convert_element_type3A_677 = arith.extui %gt3A_676 : i1 to i32
      %convert_element_type3A_678 = arith.sitofp %convert_element_type3A_677 : i32 to f32
      %mul3A_679 = arith.constant 2.000000e+00 : f32
      %mul3A_680 = arith.mulf %mul3A_679, %reduce_sum3A_664 : f32
      %add3A_681 = arith.addf %add3A_672, %add3A_195 : f32
      %div3A_682 = arith.divf %mul3A_680, %add3A_681 : f32
      %sub3A_683 = arith.constant 1.000000e+00 : f32
      %sub3A_684 = arith.subf %sub3A_683, %div3A_682 : f32
      %mul3A_685 = arith.mulf %convert_element_type3A_678, %sub3A_684 : f32
      %eq3A_686 = arith.constant 0 : i32
      %eq3A_687 = vector.broadcast %eq3A_686 : i32 to vector<1x128xi32>
      %eq3A_688 = arith.cmpi eq, %iota3A, %eq3A_687 : vector<1x128xi32>
      %convert_element_type3A_689 = arith.extui %eq3A_688 : vector<1x128xi1> to vector<1x128xi32>
      %convert_element_type3A_690 = arith.sitofp %convert_element_type3A_689 : vector<1x128xi32> to vector<1x128xf32>
      %mul3A_691 = vector.broadcast %mul3A_685 : f32 to vector<1x128xf32>
      %mul3A_692 = arith.mulf %mul3A_691, %convert_element_type3A_690 : vector<1x128xf32>
      %add3A_693 = arith.addf %add3A_637, %mul3A_692 : vector<1x128xf32>
      %eq3A_694 = arith.constant 1 : i32
      %eq3A_695 = vector.broadcast %eq3A_694 : i32 to vector<1x128xi32>
      %eq3A_696 = arith.cmpi eq, %iota3A, %eq3A_695 : vector<1x128xi32>
      %convert_element_type3A_697 = arith.extui %eq3A_696 : vector<1x128xi1> to vector<1x128xi32>
      %convert_element_type3A_698 = arith.sitofp %convert_element_type3A_697 : vector<1x128xi32> to vector<1x128xf32>
      %mul3A_699 = vector.broadcast %convert_element_type3A_678 : f32 to vector<1x128xf32>
      %mul3A_700 = arith.mulf %mul3A_699, %convert_element_type3A_698 : vector<1x128xf32>
      %add3A_701 = arith.addf %add3A_693, %mul3A_700 : vector<1x128xf32>
      %mul3A_702 = arith.constant 9 : i32
      %mul3A_703 = arith.muli %scan3A_166, %mul3A_702 : i32
      %add3A_704 = arith.constant 8 : i32
      %add3A_705 = arith.addi %mul3A_703, %add3A_704 : i32
      %get3A_706 = arith.index_cast %add3A_705 : i32 to index
      %get3A_707 = memref.load %arg4[%get3A_706] : memref<432xi32, #tpu.memory_space<smem>>
      %get3A_708 = arith.index_cast %add3A_705 : i32 to index
      %get3A_709 = memref.load %arg5[%get3A_708] : memref<432xi32, #tpu.memory_space<smem>>
      %get3A_710 = arith.index_cast %rem3A_168 : i32 to index
      %get3A_711 = arith.index_cast %get3A_707 : i32 to index
      %get3A_712 = arith.index_cast %get3A_709 : i32 to index
      %get3A_713 = arith.constant 0 : index
      %get3A_714 = arith.constant 0 : index
      %get3A_715 = vector.load %arg10[%get3A_710, %get3A_711, %get3A_712, %get3A_713, %get3A_714] : memref<8x3x3x64x64xf32, #tpu.memory_space<vmem>>, vector<1x1x1x64x64xf32>
      %get3A_716 = vector.shape_cast %get3A_715 : vector<1x1x1x64x64xf32> to vector<64x64xf32>
      %logistic3A_717 = arith.negf %get3A_716 : vector<64x64xf32>
      %logistic3A_718 = math.exp %logistic3A_717 : vector<64x64xf32>
      %logistic3A_719 = arith.constant 1.000000e+00 : f32
      %logistic3A_720 = vector.broadcast %logistic3A_719 : f32 to vector<64x64xf32>
      %logistic3A_721 = arith.addf %logistic3A_720, %logistic3A_718 : vector<64x64xf32>
      %logistic3A_722 = arith.divf %logistic3A_720, %logistic3A_721 : vector<64x64xf32>
      %mul3A_723 = arith.mulf %logistic3A_722, %get3A_190 : vector<64x64xf32>
      %reduce_sum3A_724 = vector.shape_cast %mul3A_723 : vector<64x64xf32> to vector<1x64x64xf32>
      %reduce_sum3A_725 = arith.constant dense<0.000000e+00> : vector<1xf32>
      %reduce_sum3A_726 = vector.multi_reduction <add>, %reduce_sum3A_724, %reduce_sum3A_725 [1, 2] : vector<1x64x64xf32> to vector<1xf32>
      %reduce_sum3A_727 = vector.shape_cast %reduce_sum3A_726 : vector<1xf32> to vector<1x1x1xf32>
      %reduce_sum3A_728 = vector.extract %reduce_sum3A_727[0, 0, 0] : f32 from vector<1x1x1xf32>
      %mul3A_729 = arith.mulf %logistic3A_722, %logistic3A_722 : vector<64x64xf32>
      %reduce_sum3A_730 = vector.shape_cast %mul3A_729 : vector<64x64xf32> to vector<1x64x64xf32>
      %reduce_sum3A_731 = arith.constant dense<0.000000e+00> : vector<1xf32>
      %reduce_sum3A_732 = vector.multi_reduction <add>, %reduce_sum3A_730, %reduce_sum3A_731 [1, 2] : vector<1x64x64xf32> to vector<1xf32>
      %reduce_sum3A_733 = vector.shape_cast %reduce_sum3A_732 : vector<1xf32> to vector<1x1x1xf32>
      %reduce_sum3A_734 = vector.extract %reduce_sum3A_733[0, 0, 0] : f32 from vector<1x1x1xf32>
      %add3A_735 = arith.constant 9.99999974E-5 : f32
      %add3A_736 = arith.addf %reduce_sum3A_734, %add3A_735 : f32
      %get3A_737 = arith.index_cast %add3A_705 : i32 to index
      %get3A_738 = memref.load %arg6[%get3A_737] : memref<432xi32, #tpu.memory_space<smem>>
      %gt3A_739 = arith.constant 0 : i32
      %gt3A_740 = arith.cmpi sgt, %get3A_738, %gt3A_739 : i32
      %convert_element_type3A_741 = arith.extui %gt3A_740 : i1 to i32
      %convert_element_type3A_742 = arith.sitofp %convert_element_type3A_741 : i32 to f32
      %mul3A_743 = arith.constant 2.000000e+00 : f32
      %mul3A_744 = arith.mulf %mul3A_743, %reduce_sum3A_728 : f32
      %add3A_745 = arith.addf %add3A_736, %add3A_195 : f32
      %div3A_746 = arith.divf %mul3A_744, %add3A_745 : f32
      %sub3A_747 = arith.constant 1.000000e+00 : f32
      %sub3A_748 = arith.subf %sub3A_747, %div3A_746 : f32
      %mul3A_749 = arith.mulf %convert_element_type3A_742, %sub3A_748 : f32
      %eq3A_750 = arith.constant 0 : i32
      %eq3A_751 = vector.broadcast %eq3A_750 : i32 to vector<1x128xi32>
      %eq3A_752 = arith.cmpi eq, %iota3A, %eq3A_751 : vector<1x128xi32>
      %convert_element_type3A_753 = arith.extui %eq3A_752 : vector<1x128xi1> to vector<1x128xi32>
      %convert_element_type3A_754 = arith.sitofp %convert_element_type3A_753 : vector<1x128xi32> to vector<1x128xf32>
      %mul3A_755 = vector.broadcast %mul3A_749 : f32 to vector<1x128xf32>
      %mul3A_756 = arith.mulf %mul3A_755, %convert_element_type3A_754 : vector<1x128xf32>
      %add3A_757 = arith.addf %add3A_701, %mul3A_756 : vector<1x128xf32>
      %eq3A_758 = arith.constant 1 : i32
      %eq3A_759 = vector.broadcast %eq3A_758 : i32 to vector<1x128xi32>
      %eq3A_760 = arith.cmpi eq, %iota3A, %eq3A_759 : vector<1x128xi32>
      %convert_element_type3A_761 = arith.extui %eq3A_760 : vector<1x128xi1> to vector<1x128xi32>
      %convert_element_type3A_762 = arith.sitofp %convert_element_type3A_761 : vector<1x128xi32> to vector<1x128xf32>
      %mul3A_763 = vector.broadcast %convert_element_type3A_742 : f32 to vector<1x128xf32>
      %mul3A_764 = arith.mulf %mul3A_763, %convert_element_type3A_762 : vector<1x128xf32>
      %add3A_765 = arith.addf %add3A_757, %mul3A_764 : vector<1x128xf32>
      %add3A_766 = arith.constant 8 : i32
      %add3A_767 = arith.addi %scan3A_166, %add3A_766 : i32
      %lt3A = arith.constant 48 : i32
      %lt3A_768 = arith.cmpi slt, %add3A_767, %lt3A : i32
      %convert_element_type3A_769 = arith.extui %lt3A_768 : i1 to i32
      %cond3A = arith.constant 0 : i32
      %cond3A_770 = arith.cmpi ne, %convert_element_type3A_769, %cond3A : i32
      scf.if %cond3A_770 {
        %add3A_771 = arith.constant 8 : i32
        %add3A_772 = arith.addi %scan3A_166, %add3A_771 : i32
        %get3A_773 = arith.index_cast %add3A_772 : i32 to index
        %get3A_774 = memref.load %arg1[%get3A_773] : memref<48xi32, #tpu.memory_space<smem>>
        %get3A_775 = arith.index_cast %add3A_772 : i32 to index
        %get3A_776 = memref.load %arg2[%get3A_775] : memref<48xi32, #tpu.memory_space<smem>>
        %get3A_777 = arith.index_cast %add3A_772 : i32 to index
        %get3A_778 = memref.load %arg3[%get3A_777] : memref<48xi32, #tpu.memory_space<smem>>
        %dma_start3A_779 = tpu.memref_slice %arg11[%rem3A_168] : memref<8x!tpu.dma_semaphore, #tpu.memory_space<semaphore_mem>> -> memref<1x!tpu.dma_semaphore, #tpu.memory_space<semaphore_mem>>
        %dma_start3A_780 = tpu.memref_squeeze %dma_start3A_779 : memref<1x!tpu.dma_semaphore, #tpu.memory_space<semaphore_mem>> -> memref<!tpu.dma_semaphore, #tpu.memory_space<semaphore_mem>>
        %dma_start3A_781 = arith.constant 0 : i32
        %dma_start3A_782 = arith.constant 0 : i32
        %dma_start3A_783 = arith.constant 0 : i32
        %dma_start3A_784 = arith.constant 0 : i32
        %dma_start3A_785 = tpu.memref_slice %arg10[%rem3A_168, %dma_start3A_781, %dma_start3A_782, %dma_start3A_783, %dma_start3A_784] : memref<8x3x3x64x64xf32, #tpu.memory_space<vmem>> -> memref<1x3x3x64x64xf32, #tpu.memory_space<vmem>>
        %dma_start3A_786 = tpu.memref_squeeze %dma_start3A_785 : memref<1x3x3x64x64xf32, #tpu.memory_space<vmem>> -> memref<3x3x64x64xf32, #tpu.memory_space<vmem>>
        %dma_start3A_787 = arith.constant 0 : i32
        %dma_start3A_788 = arith.constant 0 : i32
        %dma_start3A_789 = tpu.memref_slice %arg7[%get3A_774, %get3A_776, %get3A_778, %dma_start3A_787, %dma_start3A_788] : memref<4x36x36x64x64xf32, #tpu.memory_space<any>> -> memref<1x3x3x64x64xf32, #tpu.memory_space<any>>
        %dma_start3A_790 = tpu.memref_squeeze %dma_start3A_789 : memref<1x3x3x64x64xf32, #tpu.memory_space<any>> -> memref<3x3x64x64xf32, #tpu.memory_space<any>>
        tpu.enqueue_dma source(%dma_start3A_790 : memref<3x3x64x64xf32, #tpu.memory_space<any>>) target(%dma_start3A_786 : memref<3x3x64x64xf32, #tpu.memory_space<vmem>>) target_semaphore(%dma_start3A_780 : memref<!tpu.dma_semaphore, #tpu.memory_space<semaphore_mem>>)
      } else {
      }
      scf.yield %add3A_765 : vector<1x128xf32>
    }
    %scan3A_163 = arith.constant 48 : i32
    %swap3A = arith.constant 0 : index
    %swap3A_164 = arith.constant 0 : index
    %swap3A_165 = vector.load %arg9[%swap3A, %swap3A_164] : memref<1x128xf32, #tpu.memory_space<vmem>>, vector<1x128xf32>
    tpu.vector_store %arg9[%swap3A, %swap3A_164], %scan3A_162 {strides = array<i32>} : memref<1x128xf32, #tpu.memory_space<vmem>>, vector<1x128xf32>,
    return
  }
  func.func @transform_1(%arg0: i32, %arg1: memref<48xi32, #tpu.memory_space<smem>>, %arg2: memref<48xi32, #tpu.memory_space<smem>>, %arg3: memref<48xi32, #tpu.memory_space<smem>>, %arg4: memref<432xi32, #tpu.memory_space<smem>>, %arg5: memref<432xi32, #tpu.memory_space<smem>>, %arg6: memref<432xi32, #tpu.memory_space<smem>>) -> (i32, i32, i32) {
    %c0_i32 = arith.constant 0 : i32
    %c0_i32_0 = arith.constant 0 : i32
    %c0_i32_1 = arith.constant 0 : i32
    %c0_i32_2 = arith.constant 0 : i32
    return %c0_i32, %c0_i32_0, %c0_i32_1 : i32, i32, i32
  }
  func.func @transform_2(%arg0: i32, %arg1: memref<48xi32, #tpu.memory_space<smem>>, %arg2: memref<48xi32, #tpu.memory_space<smem>>, %arg3: memref<48xi32, #tpu.memory_space<smem>>, %arg4: memref<432xi32, #tpu.memory_space<smem>>, %arg5: memref<432xi32, #tpu.memory_space<smem>>, %arg6: memref<432xi32, #tpu.memory_space<smem>>) -> (i32, i32) {
    %c0_i32 = arith.constant 0 : i32
    %c0_i32_0 = arith.constant 0 : i32
    %c0_i32_1 = arith.constant 0 : i32
    return %c0_i32, %c0_i32_0 : i32, i32
  }
}

module attributes {stable_mosaic.version = 14 : i64} {
  func.func @_dice_body(%arg0: i32, %arg1: memref<48xi32, #tpu.memory_space<smem>>, %arg2: memref<48xi32, #tpu.memory_space<smem>>, %arg3: memref<48xi32, #tpu.memory_space<smem>>, %arg4: memref<432xi32, #tpu.memory_space<smem>>, %arg5: memref<432xi32, #tpu.memory_space<smem>>, %arg6: memref<432xi32, #tpu.memory_space<smem>>, %arg7: memref<4x40x40x64x64xf32, #tpu.memory_space<any>>, %arg8: memref<48x64x64xf32, #tpu.memory_space<vmem>>, %arg9: memref<1x128xf32, #tpu.memory_space<vmem>>, %arg10: memref<8x3x3x64x64xf32, #tpu.memory_space<vmem>>, %arg11: memref<8x!tpu.dma_semaphore, #tpu.memory_space<semaphore_mem>>) attributes {dimension_semantics = [#tpu.dimension_semantics<arbitrary>], iteration_bounds = array<i64: 1>, scalar_prefetch = 6 : i64, scratch_operands = 2 : i64, tpu.core_type = #tpu.core_type<tc>, window_params = [{}, {pipeline_mode = #tpu.pipeline_mode<synchronous>, transform_indices = @transform_1, window_bounds = array<i64: 48, 64, 64>}, {pipeline_mode = #tpu.pipeline_mode<synchronous>, transform_indices = @transform_2, window_bounds = array<i64: 1, 128>}]} {
    %get3A = arith.constant 0 : index
    %get3A_0 = memref.load %arg1[%get3A] : memref<48xi32, #tpu.memory_space<smem>>
    %get3A_1 = arith.constant 0 : index
    %get3A_2 = memref.load %arg2[%get3A_1] : memref<48xi32, #tpu.memory_space<smem>>
    %get3A_3 = arith.constant 0 : index
    %get3A_4 = memref.load %arg3[%get3A_3] : memref<48xi32, #tpu.memory_space<smem>>
    %dma_start3A = arith.constant 0 : i32
    %dma_start3A_5 = arith.constant 0 : i32
    %dma_start3A_6 = tpu.memref_slice %arg11[%dma_start3A_5] : memref<8x!tpu.dma_semaphore, #tpu.memory_space<semaphore_mem>> -> memref<1x!tpu.dma_semaphore, #tpu.memory_space<semaphore_mem>>
    %dma_start3A_7 = tpu.memref_squeeze %dma_start3A_6 : memref<1x!tpu.dma_semaphore, #tpu.memory_space<semaphore_mem>> -> memref<!tpu.dma_semaphore, #tpu.memory_space<semaphore_mem>>
    %dma_start3A_8 = arith.constant 0 : i32
    %dma_start3A_9 = arith.constant 0 : i32
    %dma_start3A_10 = arith.constant 0 : i32
    %dma_start3A_11 = arith.constant 0 : i32
    %dma_start3A_12 = tpu.memref_slice %arg10[%dma_start3A, %dma_start3A_8, %dma_start3A_9, %dma_start3A_10, %dma_start3A_11] : memref<8x3x3x64x64xf32, #tpu.memory_space<vmem>> -> memref<1x3x3x64x64xf32, #tpu.memory_space<vmem>>
    %dma_start3A_13 = tpu.memref_squeeze %dma_start3A_12 : memref<1x3x3x64x64xf32, #tpu.memory_space<vmem>> -> memref<3x3x64x64xf32, #tpu.memory_space<vmem>>
    %dma_start3A_14 = arith.constant 0 : i32
    %dma_start3A_15 = arith.constant 0 : i32
    %dma_start3A_16 = tpu.memref_slice %arg7[%get3A_0, %get3A_2, %get3A_4, %dma_start3A_14, %dma_start3A_15] : memref<4x40x40x64x64xf32, #tpu.memory_space<any>> -> memref<1x3x3x64x64xf32, #tpu.memory_space<any>>
    %dma_start3A_17 = tpu.memref_squeeze %dma_start3A_16 : memref<1x3x3x64x64xf32, #tpu.memory_space<any>> -> memref<3x3x64x64xf32, #tpu.memory_space<any>>
    tpu.enqueue_dma source(%dma_start3A_17 : memref<3x3x64x64xf32, #tpu.memory_space<any>>) target(%dma_start3A_13 : memref<3x3x64x64xf32, #tpu.memory_space<vmem>>) target_semaphore(%dma_start3A_7 : memref<!tpu.dma_semaphore, #tpu.memory_space<semaphore_mem>>)
    %get3A_18 = arith.constant 1 : index
    %get3A_19 = memref.load %arg1[%get3A_18] : memref<48xi32, #tpu.memory_space<smem>>
    %get3A_20 = arith.constant 1 : index
    %get3A_21 = memref.load %arg2[%get3A_20] : memref<48xi32, #tpu.memory_space<smem>>
    %get3A_22 = arith.constant 1 : index
    %get3A_23 = memref.load %arg3[%get3A_22] : memref<48xi32, #tpu.memory_space<smem>>
    %dma_start3A_24 = arith.constant 1 : i32
    %dma_start3A_25 = arith.constant 1 : i32
    %dma_start3A_26 = tpu.memref_slice %arg11[%dma_start3A_25] : memref<8x!tpu.dma_semaphore, #tpu.memory_space<semaphore_mem>> -> memref<1x!tpu.dma_semaphore, #tpu.memory_space<semaphore_mem>>
    %dma_start3A_27 = tpu.memref_squeeze %dma_start3A_26 : memref<1x!tpu.dma_semaphore, #tpu.memory_space<semaphore_mem>> -> memref<!tpu.dma_semaphore, #tpu.memory_space<semaphore_mem>>
    %dma_start3A_28 = arith.constant 0 : i32
    %dma_start3A_29 = arith.constant 0 : i32
    %dma_start3A_30 = arith.constant 0 : i32
    %dma_start3A_31 = arith.constant 0 : i32
    %dma_start3A_32 = tpu.memref_slice %arg10[%dma_start3A_24, %dma_start3A_28, %dma_start3A_29, %dma_start3A_30, %dma_start3A_31] : memref<8x3x3x64x64xf32, #tpu.memory_space<vmem>> -> memref<1x3x3x64x64xf32, #tpu.memory_space<vmem>>
    %dma_start3A_33 = tpu.memref_squeeze %dma_start3A_32 : memref<1x3x3x64x64xf32, #tpu.memory_space<vmem>> -> memref<3x3x64x64xf32, #tpu.memory_space<vmem>>
    %dma_start3A_34 = arith.constant 0 : i32
    %dma_start3A_35 = arith.constant 0 : i32
    %dma_start3A_36 = tpu.memref_slice %arg7[%get3A_19, %get3A_21, %get3A_23, %dma_start3A_34, %dma_start3A_35] : memref<4x40x40x64x64xf32, #tpu.memory_space<any>> -> memref<1x3x3x64x64xf32, #tpu.memory_space<any>>
    %dma_start3A_37 = tpu.memref_squeeze %dma_start3A_36 : memref<1x3x3x64x64xf32, #tpu.memory_space<any>> -> memref<3x3x64x64xf32, #tpu.memory_space<any>>
    tpu.enqueue_dma source(%dma_start3A_37 : memref<3x3x64x64xf32, #tpu.memory_space<any>>) target(%dma_start3A_33 : memref<3x3x64x64xf32, #tpu.memory_space<vmem>>) target_semaphore(%dma_start3A_27 : memref<!tpu.dma_semaphore, #tpu.memory_space<semaphore_mem>>)
    %get3A_38 = arith.constant 2 : index
    %get3A_39 = memref.load %arg1[%get3A_38] : memref<48xi32, #tpu.memory_space<smem>>
    %get3A_40 = arith.constant 2 : index
    %get3A_41 = memref.load %arg2[%get3A_40] : memref<48xi32, #tpu.memory_space<smem>>
    %get3A_42 = arith.constant 2 : index
    %get3A_43 = memref.load %arg3[%get3A_42] : memref<48xi32, #tpu.memory_space<smem>>
    %dma_start3A_44 = arith.constant 2 : i32
    %dma_start3A_45 = arith.constant 2 : i32
    %dma_start3A_46 = tpu.memref_slice %arg11[%dma_start3A_45] : memref<8x!tpu.dma_semaphore, #tpu.memory_space<semaphore_mem>> -> memref<1x!tpu.dma_semaphore, #tpu.memory_space<semaphore_mem>>
    %dma_start3A_47 = tpu.memref_squeeze %dma_start3A_46 : memref<1x!tpu.dma_semaphore, #tpu.memory_space<semaphore_mem>> -> memref<!tpu.dma_semaphore, #tpu.memory_space<semaphore_mem>>
    %dma_start3A_48 = arith.constant 0 : i32
    %dma_start3A_49 = arith.constant 0 : i32
    %dma_start3A_50 = arith.constant 0 : i32
    %dma_start3A_51 = arith.constant 0 : i32
    %dma_start3A_52 = tpu.memref_slice %arg10[%dma_start3A_44, %dma_start3A_48, %dma_start3A_49, %dma_start3A_50, %dma_start3A_51] : memref<8x3x3x64x64xf32, #tpu.memory_space<vmem>> -> memref<1x3x3x64x64xf32, #tpu.memory_space<vmem>>
    %dma_start3A_53 = tpu.memref_squeeze %dma_start3A_52 : memref<1x3x3x64x64xf32, #tpu.memory_space<vmem>> -> memref<3x3x64x64xf32, #tpu.memory_space<vmem>>
    %dma_start3A_54 = arith.constant 0 : i32
    %dma_start3A_55 = arith.constant 0 : i32
    %dma_start3A_56 = tpu.memref_slice %arg7[%get3A_39, %get3A_41, %get3A_43, %dma_start3A_54, %dma_start3A_55] : memref<4x40x40x64x64xf32, #tpu.memory_space<any>> -> memref<1x3x3x64x64xf32, #tpu.memory_space<any>>
    %dma_start3A_57 = tpu.memref_squeeze %dma_start3A_56 : memref<1x3x3x64x64xf32, #tpu.memory_space<any>> -> memref<3x3x64x64xf32, #tpu.memory_space<any>>
    tpu.enqueue_dma source(%dma_start3A_57 : memref<3x3x64x64xf32, #tpu.memory_space<any>>) target(%dma_start3A_53 : memref<3x3x64x64xf32, #tpu.memory_space<vmem>>) target_semaphore(%dma_start3A_47 : memref<!tpu.dma_semaphore, #tpu.memory_space<semaphore_mem>>)
    %get3A_58 = arith.constant 3 : index
    %get3A_59 = memref.load %arg1[%get3A_58] : memref<48xi32, #tpu.memory_space<smem>>
    %get3A_60 = arith.constant 3 : index
    %get3A_61 = memref.load %arg2[%get3A_60] : memref<48xi32, #tpu.memory_space<smem>>
    %get3A_62 = arith.constant 3 : index
    %get3A_63 = memref.load %arg3[%get3A_62] : memref<48xi32, #tpu.memory_space<smem>>
    %dma_start3A_64 = arith.constant 3 : i32
    %dma_start3A_65 = arith.constant 3 : i32
    %dma_start3A_66 = tpu.memref_slice %arg11[%dma_start3A_65] : memref<8x!tpu.dma_semaphore, #tpu.memory_space<semaphore_mem>> -> memref<1x!tpu.dma_semaphore, #tpu.memory_space<semaphore_mem>>
    %dma_start3A_67 = tpu.memref_squeeze %dma_start3A_66 : memref<1x!tpu.dma_semaphore, #tpu.memory_space<semaphore_mem>> -> memref<!tpu.dma_semaphore, #tpu.memory_space<semaphore_mem>>
    %dma_start3A_68 = arith.constant 0 : i32
    %dma_start3A_69 = arith.constant 0 : i32
    %dma_start3A_70 = arith.constant 0 : i32
    %dma_start3A_71 = arith.constant 0 : i32
    %dma_start3A_72 = tpu.memref_slice %arg10[%dma_start3A_64, %dma_start3A_68, %dma_start3A_69, %dma_start3A_70, %dma_start3A_71] : memref<8x3x3x64x64xf32, #tpu.memory_space<vmem>> -> memref<1x3x3x64x64xf32, #tpu.memory_space<vmem>>
    %dma_start3A_73 = tpu.memref_squeeze %dma_start3A_72 : memref<1x3x3x64x64xf32, #tpu.memory_space<vmem>> -> memref<3x3x64x64xf32, #tpu.memory_space<vmem>>
    %dma_start3A_74 = arith.constant 0 : i32
    %dma_start3A_75 = arith.constant 0 : i32
    %dma_start3A_76 = tpu.memref_slice %arg7[%get3A_59, %get3A_61, %get3A_63, %dma_start3A_74, %dma_start3A_75] : memref<4x40x40x64x64xf32, #tpu.memory_space<any>> -> memref<1x3x3x64x64xf32, #tpu.memory_space<any>>
    %dma_start3A_77 = tpu.memref_squeeze %dma_start3A_76 : memref<1x3x3x64x64xf32, #tpu.memory_space<any>> -> memref<3x3x64x64xf32, #tpu.memory_space<any>>
    tpu.enqueue_dma source(%dma_start3A_77 : memref<3x3x64x64xf32, #tpu.memory_space<any>>) target(%dma_start3A_73 : memref<3x3x64x64xf32, #tpu.memory_space<vmem>>) target_semaphore(%dma_start3A_67 : memref<!tpu.dma_semaphore, #tpu.memory_space<semaphore_mem>>)
    %get3A_78 = arith.constant 4 : index
    %get3A_79 = memref.load %arg1[%get3A_78] : memref<48xi32, #tpu.memory_space<smem>>
    %get3A_80 = arith.constant 4 : index
    %get3A_81 = memref.load %arg2[%get3A_80] : memref<48xi32, #tpu.memory_space<smem>>
    %get3A_82 = arith.constant 4 : index
    %get3A_83 = memref.load %arg3[%get3A_82] : memref<48xi32, #tpu.memory_space<smem>>
    %dma_start3A_84 = arith.constant 4 : i32
    %dma_start3A_85 = arith.constant 4 : i32
    %dma_start3A_86 = tpu.memref_slice %arg11[%dma_start3A_85] : memref<8x!tpu.dma_semaphore, #tpu.memory_space<semaphore_mem>> -> memref<1x!tpu.dma_semaphore, #tpu.memory_space<semaphore_mem>>
    %dma_start3A_87 = tpu.memref_squeeze %dma_start3A_86 : memref<1x!tpu.dma_semaphore, #tpu.memory_space<semaphore_mem>> -> memref<!tpu.dma_semaphore, #tpu.memory_space<semaphore_mem>>
    %dma_start3A_88 = arith.constant 0 : i32
    %dma_start3A_89 = arith.constant 0 : i32
    %dma_start3A_90 = arith.constant 0 : i32
    %dma_start3A_91 = arith.constant 0 : i32
    %dma_start3A_92 = tpu.memref_slice %arg10[%dma_start3A_84, %dma_start3A_88, %dma_start3A_89, %dma_start3A_90, %dma_start3A_91] : memref<8x3x3x64x64xf32, #tpu.memory_space<vmem>> -> memref<1x3x3x64x64xf32, #tpu.memory_space<vmem>>
    %dma_start3A_93 = tpu.memref_squeeze %dma_start3A_92 : memref<1x3x3x64x64xf32, #tpu.memory_space<vmem>> -> memref<3x3x64x64xf32, #tpu.memory_space<vmem>>
    %dma_start3A_94 = arith.constant 0 : i32
    %dma_start3A_95 = arith.constant 0 : i32
    %dma_start3A_96 = tpu.memref_slice %arg7[%get3A_79, %get3A_81, %get3A_83, %dma_start3A_94, %dma_start3A_95] : memref<4x40x40x64x64xf32, #tpu.memory_space<any>> -> memref<1x3x3x64x64xf32, #tpu.memory_space<any>>
    %dma_start3A_97 = tpu.memref_squeeze %dma_start3A_96 : memref<1x3x3x64x64xf32, #tpu.memory_space<any>> -> memref<3x3x64x64xf32, #tpu.memory_space<any>>
    tpu.enqueue_dma source(%dma_start3A_97 : memref<3x3x64x64xf32, #tpu.memory_space<any>>) target(%dma_start3A_93 : memref<3x3x64x64xf32, #tpu.memory_space<vmem>>) target_semaphore(%dma_start3A_87 : memref<!tpu.dma_semaphore, #tpu.memory_space<semaphore_mem>>)
    %get3A_98 = arith.constant 5 : index
    %get3A_99 = memref.load %arg1[%get3A_98] : memref<48xi32, #tpu.memory_space<smem>>
    %get3A_100 = arith.constant 5 : index
    %get3A_101 = memref.load %arg2[%get3A_100] : memref<48xi32, #tpu.memory_space<smem>>
    %get3A_102 = arith.constant 5 : index
    %get3A_103 = memref.load %arg3[%get3A_102] : memref<48xi32, #tpu.memory_space<smem>>
    %dma_start3A_104 = arith.constant 5 : i32
    %dma_start3A_105 = arith.constant 5 : i32
    %dma_start3A_106 = tpu.memref_slice %arg11[%dma_start3A_105] : memref<8x!tpu.dma_semaphore, #tpu.memory_space<semaphore_mem>> -> memref<1x!tpu.dma_semaphore, #tpu.memory_space<semaphore_mem>>
    %dma_start3A_107 = tpu.memref_squeeze %dma_start3A_106 : memref<1x!tpu.dma_semaphore, #tpu.memory_space<semaphore_mem>> -> memref<!tpu.dma_semaphore, #tpu.memory_space<semaphore_mem>>
    %dma_start3A_108 = arith.constant 0 : i32
    %dma_start3A_109 = arith.constant 0 : i32
    %dma_start3A_110 = arith.constant 0 : i32
    %dma_start3A_111 = arith.constant 0 : i32
    %dma_start3A_112 = tpu.memref_slice %arg10[%dma_start3A_104, %dma_start3A_108, %dma_start3A_109, %dma_start3A_110, %dma_start3A_111] : memref<8x3x3x64x64xf32, #tpu.memory_space<vmem>> -> memref<1x3x3x64x64xf32, #tpu.memory_space<vmem>>
    %dma_start3A_113 = tpu.memref_squeeze %dma_start3A_112 : memref<1x3x3x64x64xf32, #tpu.memory_space<vmem>> -> memref<3x3x64x64xf32, #tpu.memory_space<vmem>>
    %dma_start3A_114 = arith.constant 0 : i32
    %dma_start3A_115 = arith.constant 0 : i32
    %dma_start3A_116 = tpu.memref_slice %arg7[%get3A_99, %get3A_101, %get3A_103, %dma_start3A_114, %dma_start3A_115] : memref<4x40x40x64x64xf32, #tpu.memory_space<any>> -> memref<1x3x3x64x64xf32, #tpu.memory_space<any>>
    %dma_start3A_117 = tpu.memref_squeeze %dma_start3A_116 : memref<1x3x3x64x64xf32, #tpu.memory_space<any>> -> memref<3x3x64x64xf32, #tpu.memory_space<any>>
    tpu.enqueue_dma source(%dma_start3A_117 : memref<3x3x64x64xf32, #tpu.memory_space<any>>) target(%dma_start3A_113 : memref<3x3x64x64xf32, #tpu.memory_space<vmem>>) target_semaphore(%dma_start3A_107 : memref<!tpu.dma_semaphore, #tpu.memory_space<semaphore_mem>>)
    %get3A_118 = arith.constant 6 : index
    %get3A_119 = memref.load %arg1[%get3A_118] : memref<48xi32, #tpu.memory_space<smem>>
    %get3A_120 = arith.constant 6 : index
    %get3A_121 = memref.load %arg2[%get3A_120] : memref<48xi32, #tpu.memory_space<smem>>
    %get3A_122 = arith.constant 6 : index
    %get3A_123 = memref.load %arg3[%get3A_122] : memref<48xi32, #tpu.memory_space<smem>>
    %dma_start3A_124 = arith.constant 6 : i32
    %dma_start3A_125 = arith.constant 6 : i32
    %dma_start3A_126 = tpu.memref_slice %arg11[%dma_start3A_125] : memref<8x!tpu.dma_semaphore, #tpu.memory_space<semaphore_mem>> -> memref<1x!tpu.dma_semaphore, #tpu.memory_space<semaphore_mem>>
    %dma_start3A_127 = tpu.memref_squeeze %dma_start3A_126 : memref<1x!tpu.dma_semaphore, #tpu.memory_space<semaphore_mem>> -> memref<!tpu.dma_semaphore, #tpu.memory_space<semaphore_mem>>
    %dma_start3A_128 = arith.constant 0 : i32
    %dma_start3A_129 = arith.constant 0 : i32
    %dma_start3A_130 = arith.constant 0 : i32
    %dma_start3A_131 = arith.constant 0 : i32
    %dma_start3A_132 = tpu.memref_slice %arg10[%dma_start3A_124, %dma_start3A_128, %dma_start3A_129, %dma_start3A_130, %dma_start3A_131] : memref<8x3x3x64x64xf32, #tpu.memory_space<vmem>> -> memref<1x3x3x64x64xf32, #tpu.memory_space<vmem>>
    %dma_start3A_133 = tpu.memref_squeeze %dma_start3A_132 : memref<1x3x3x64x64xf32, #tpu.memory_space<vmem>> -> memref<3x3x64x64xf32, #tpu.memory_space<vmem>>
    %dma_start3A_134 = arith.constant 0 : i32
    %dma_start3A_135 = arith.constant 0 : i32
    %dma_start3A_136 = tpu.memref_slice %arg7[%get3A_119, %get3A_121, %get3A_123, %dma_start3A_134, %dma_start3A_135] : memref<4x40x40x64x64xf32, #tpu.memory_space<any>> -> memref<1x3x3x64x64xf32, #tpu.memory_space<any>>
    %dma_start3A_137 = tpu.memref_squeeze %dma_start3A_136 : memref<1x3x3x64x64xf32, #tpu.memory_space<any>> -> memref<3x3x64x64xf32, #tpu.memory_space<any>>
    tpu.enqueue_dma source(%dma_start3A_137 : memref<3x3x64x64xf32, #tpu.memory_space<any>>) target(%dma_start3A_133 : memref<3x3x64x64xf32, #tpu.memory_space<vmem>>) target_semaphore(%dma_start3A_127 : memref<!tpu.dma_semaphore, #tpu.memory_space<semaphore_mem>>)
    %get3A_138 = arith.constant 7 : index
    %get3A_139 = memref.load %arg1[%get3A_138] : memref<48xi32, #tpu.memory_space<smem>>
    %get3A_140 = arith.constant 7 : index
    %get3A_141 = memref.load %arg2[%get3A_140] : memref<48xi32, #tpu.memory_space<smem>>
    %get3A_142 = arith.constant 7 : index
    %get3A_143 = memref.load %arg3[%get3A_142] : memref<48xi32, #tpu.memory_space<smem>>
    %dma_start3A_144 = arith.constant 7 : i32
    %dma_start3A_145 = arith.constant 7 : i32
    %dma_start3A_146 = tpu.memref_slice %arg11[%dma_start3A_145] : memref<8x!tpu.dma_semaphore, #tpu.memory_space<semaphore_mem>> -> memref<1x!tpu.dma_semaphore, #tpu.memory_space<semaphore_mem>>
    %dma_start3A_147 = tpu.memref_squeeze %dma_start3A_146 : memref<1x!tpu.dma_semaphore, #tpu.memory_space<semaphore_mem>> -> memref<!tpu.dma_semaphore, #tpu.memory_space<semaphore_mem>>
    %dma_start3A_148 = arith.constant 0 : i32
    %dma_start3A_149 = arith.constant 0 : i32
    %dma_start3A_150 = arith.constant 0 : i32
    %dma_start3A_151 = arith.constant 0 : i32
    %dma_start3A_152 = tpu.memref_slice %arg10[%dma_start3A_144, %dma_start3A_148, %dma_start3A_149, %dma_start3A_150, %dma_start3A_151] : memref<8x3x3x64x64xf32, #tpu.memory_space<vmem>> -> memref<1x3x3x64x64xf32, #tpu.memory_space<vmem>>
    %dma_start3A_153 = tpu.memref_squeeze %dma_start3A_152 : memref<1x3x3x64x64xf32, #tpu.memory_space<vmem>> -> memref<3x3x64x64xf32, #tpu.memory_space<vmem>>
    %dma_start3A_154 = arith.constant 0 : i32
    %dma_start3A_155 = arith.constant 0 : i32
    %dma_start3A_156 = tpu.memref_slice %arg7[%get3A_139, %get3A_141, %get3A_143, %dma_start3A_154, %dma_start3A_155] : memref<4x40x40x64x64xf32, #tpu.memory_space<any>> -> memref<1x3x3x64x64xf32, #tpu.memory_space<any>>
    %dma_start3A_157 = tpu.memref_squeeze %dma_start3A_156 : memref<1x3x3x64x64xf32, #tpu.memory_space<any>> -> memref<3x3x64x64xf32, #tpu.memory_space<any>>
    tpu.enqueue_dma source(%dma_start3A_157 : memref<3x3x64x64xf32, #tpu.memory_space<any>>) target(%dma_start3A_153 : memref<3x3x64x64xf32, #tpu.memory_space<vmem>>) target_semaphore(%dma_start3A_147 : memref<!tpu.dma_semaphore, #tpu.memory_space<semaphore_mem>>)
    %iota3A = tpu.iota {dimensions = array<i32: 1>} : vector<1x128xi32>
    %broadcast_in_dim3A = arith.constant 0.000000e+00 : f32
    %broadcast_in_dim3A_158 = vector.broadcast %broadcast_in_dim3A : f32 to vector<1x128xf32>
    %scan3A = arith.constant 0 : i32
    %scan3A_159 = arith.constant 48 : i32
    %scan3A_160 = arith.addi %scan3A, %scan3A_159 : i32
    %scan3A_161 = arith.constant 1 : i32
    %scan3A_162 = scf.for %scan3A_166 = %scan3A to %scan3A_160 step %scan3A_161 iter_args(%scan3A_167 = %broadcast_in_dim3A_158) -> (vector<1x128xf32>)  : i32 {
      %rem3A = arith.constant 8 : i32
      %rem3A_168 = arith.remsi %scan3A_166, %rem3A : i32
      %get3A_169 = arith.index_cast %scan3A_166 : i32 to index
      %get3A_170 = memref.load %arg1[%get3A_169] : memref<48xi32, #tpu.memory_space<smem>>
      %get3A_171 = arith.index_cast %scan3A_166 : i32 to index
      %get3A_172 = memref.load %arg2[%get3A_171] : memref<48xi32, #tpu.memory_space<smem>>
      %get3A_173 = arith.index_cast %scan3A_166 : i32 to index
      %get3A_174 = memref.load %arg3[%get3A_173] : memref<48xi32, #tpu.memory_space<smem>>
      %dma_wait3A = tpu.memref_slice %arg11[%rem3A_168] : memref<8x!tpu.dma_semaphore, #tpu.memory_space<semaphore_mem>> -> memref<1x!tpu.dma_semaphore, #tpu.memory_space<semaphore_mem>>
      %dma_wait3A_175 = tpu.memref_squeeze %dma_wait3A : memref<1x!tpu.dma_semaphore, #tpu.memory_space<semaphore_mem>> -> memref<!tpu.dma_semaphore, #tpu.memory_space<semaphore_mem>>
      %dma_wait3A_176 = arith.constant 0 : i32
      %dma_wait3A_177 = arith.constant 0 : i32
      %dma_wait3A_178 = arith.constant 0 : i32
      %dma_wait3A_179 = arith.constant 0 : i32
      %dma_wait3A_180 = tpu.memref_slice %arg10[%rem3A_168, %dma_wait3A_176, %dma_wait3A_177, %dma_wait3A_178, %dma_wait3A_179] : memref<8x3x3x64x64xf32, #tpu.memory_space<vmem>> -> memref<1x3x3x64x64xf32, #tpu.memory_space<vmem>>
      %dma_wait3A_181 = tpu.memref_squeeze %dma_wait3A_180 : memref<1x3x3x64x64xf32, #tpu.memory_space<vmem>> -> memref<3x3x64x64xf32, #tpu.memory_space<vmem>>
      %dma_wait3A_182 = arith.constant 0 : i32
      %dma_wait3A_183 = arith.constant 0 : i32
      %dma_wait3A_184 = tpu.memref_slice %arg7[%get3A_170, %get3A_172, %get3A_174, %dma_wait3A_182, %dma_wait3A_183] : memref<4x40x40x64x64xf32, #tpu.memory_space<any>> -> memref<1x3x3x64x64xf32, #tpu.memory_space<any>>
      %dma_wait3A_185 = tpu.memref_squeeze %dma_wait3A_184 : memref<1x3x3x64x64xf32, #tpu.memory_space<any>> -> memref<3x3x64x64xf32, #tpu.memory_space<any>>
      tpu.wait_dma2 semaphore(%dma_wait3A_175 : memref<!tpu.dma_semaphore, #tpu.memory_space<semaphore_mem>>) src(%dma_wait3A_185 : memref<3x3x64x64xf32, #tpu.memory_space<any>>) dst(%dma_wait3A_181 : memref<3x3x64x64xf32, #tpu.memory_space<vmem>>)
      %get3A_186 = arith.index_cast %scan3A_166 : i32 to index
      %get3A_187 = arith.constant 0 : index
      %get3A_188 = arith.constant 0 : index
      %get3A_189 = vector.load %arg8[%get3A_186, %get3A_187, %get3A_188] : memref<48x64x64xf32, #tpu.memory_space<vmem>>, vector<1x64x64xf32>
      %get3A_190 = vector.shape_cast %get3A_189 : vector<1x64x64xf32> to vector<64x64xf32>
      %mul3A = arith.mulf %get3A_190, %get3A_190 : vector<64x64xf32>
      %reduce_sum3A = vector.shape_cast %mul3A : vector<64x64xf32> to vector<1x64x64xf32>
      %reduce_sum3A_191 = arith.constant dense<0.000000e+00> : vector<1xf32>
      %reduce_sum3A_192 = vector.multi_reduction <add>, %reduce_sum3A, %reduce_sum3A_191 [1, 2] : vector<1x64x64xf32> to vector<1xf32>
      %reduce_sum3A_193 = vector.shape_cast %reduce_sum3A_192 : vector<1xf32> to vector<1x1x1xf32>
      %reduce_sum3A_194 = vector.extract %reduce_sum3A_193[0, 0, 0] : f32 from vector<1x1x1xf32>
      %add3A = arith.constant 9.99999974E-5 : f32
      %add3A_195 = arith.addf %reduce_sum3A_194, %add3A : f32
      %mul3A_196 = arith.constant 9 : i32
      %mul3A_197 = arith.muli %scan3A_166, %mul3A_196 : i32
      %add3A_198 = arith.constant 0 : i32
      %add3A_199 = arith.addi %mul3A_197, %add3A_198 : i32
      %get3A_200 = arith.index_cast %add3A_199 : i32 to index
      %get3A_201 = memref.load %arg4[%get3A_200] : memref<432xi32, #tpu.memory_space<smem>>
      %get3A_202 = arith.index_cast %add3A_199 : i32 to index
      %get3A_203 = memref.load %arg5[%get3A_202] : memref<432xi32, #tpu.memory_space<smem>>
      %get3A_204 = arith.index_cast %rem3A_168 : i32 to index
      %get3A_205 = arith.index_cast %get3A_201 : i32 to index
      %get3A_206 = arith.index_cast %get3A_203 : i32 to index
      %get3A_207 = arith.constant 0 : index
      %get3A_208 = arith.constant 0 : index
      %get3A_209 = vector.load %arg10[%get3A_204, %get3A_205, %get3A_206, %get3A_207, %get3A_208] : memref<8x3x3x64x64xf32, #tpu.memory_space<vmem>>, vector<1x1x1x64x64xf32>
      %get3A_210 = vector.shape_cast %get3A_209 : vector<1x1x1x64x64xf32> to vector<64x64xf32>
      %logistic3A = arith.negf %get3A_210 : vector<64x64xf32>
      %logistic3A_211 = math.exp %logistic3A : vector<64x64xf32>
      %logistic3A_212 = arith.constant 1.000000e+00 : f32
      %logistic3A_213 = vector.broadcast %logistic3A_212 : f32 to vector<64x64xf32>
      %logistic3A_214 = arith.addf %logistic3A_213, %logistic3A_211 : vector<64x64xf32>
      %logistic3A_215 = arith.divf %logistic3A_213, %logistic3A_214 : vector<64x64xf32>
      %mul3A_216 = arith.mulf %logistic3A_215, %get3A_190 : vector<64x64xf32>
      %reduce_sum3A_217 = vector.shape_cast %mul3A_216 : vector<64x64xf32> to vector<1x64x64xf32>
      %reduce_sum3A_218 = arith.constant dense<0.000000e+00> : vector<1xf32>
      %reduce_sum3A_219 = vector.multi_reduction <add>, %reduce_sum3A_217, %reduce_sum3A_218 [1, 2] : vector<1x64x64xf32> to vector<1xf32>
      %reduce_sum3A_220 = vector.shape_cast %reduce_sum3A_219 : vector<1xf32> to vector<1x1x1xf32>
      %reduce_sum3A_221 = vector.extract %reduce_sum3A_220[0, 0, 0] : f32 from vector<1x1x1xf32>
      %mul3A_222 = arith.mulf %logistic3A_215, %logistic3A_215 : vector<64x64xf32>
      %reduce_sum3A_223 = vector.shape_cast %mul3A_222 : vector<64x64xf32> to vector<1x64x64xf32>
      %reduce_sum3A_224 = arith.constant dense<0.000000e+00> : vector<1xf32>
      %reduce_sum3A_225 = vector.multi_reduction <add>, %reduce_sum3A_223, %reduce_sum3A_224 [1, 2] : vector<1x64x64xf32> to vector<1xf32>
      %reduce_sum3A_226 = vector.shape_cast %reduce_sum3A_225 : vector<1xf32> to vector<1x1x1xf32>
      %reduce_sum3A_227 = vector.extract %reduce_sum3A_226[0, 0, 0] : f32 from vector<1x1x1xf32>
      %add3A_228 = arith.constant 9.99999974E-5 : f32
      %add3A_229 = arith.addf %reduce_sum3A_227, %add3A_228 : f32
      %get3A_230 = arith.index_cast %add3A_199 : i32 to index
      %get3A_231 = memref.load %arg6[%get3A_230] : memref<432xi32, #tpu.memory_space<smem>>
      %gt3A = arith.constant 0 : i32
      %gt3A_232 = arith.cmpi sgt, %get3A_231, %gt3A : i32
      %convert_element_type3A = arith.extui %gt3A_232 : i1 to i32
      %convert_element_type3A_233 = arith.sitofp %convert_element_type3A : i32 to f32
      %mul3A_234 = arith.constant 2.000000e+00 : f32
      %mul3A_235 = arith.mulf %mul3A_234, %reduce_sum3A_221 : f32
      %add3A_236 = arith.addf %add3A_229, %add3A_195 : f32
      %div3A = arith.divf %mul3A_235, %add3A_236 : f32
      %sub3A = arith.constant 1.000000e+00 : f32
      %sub3A_237 = arith.subf %sub3A, %div3A : f32
      %mul3A_238 = arith.mulf %convert_element_type3A_233, %sub3A_237 : f32
      %eq3A = arith.constant 0 : i32
      %eq3A_239 = vector.broadcast %eq3A : i32 to vector<1x128xi32>
      %eq3A_240 = arith.cmpi eq, %iota3A, %eq3A_239 : vector<1x128xi32>
      %convert_element_type3A_241 = arith.extui %eq3A_240 : vector<1x128xi1> to vector<1x128xi32>
      %convert_element_type3A_242 = arith.sitofp %convert_element_type3A_241 : vector<1x128xi32> to vector<1x128xf32>
      %mul3A_243 = vector.broadcast %mul3A_238 : f32 to vector<1x128xf32>
      %mul3A_244 = arith.mulf %mul3A_243, %convert_element_type3A_242 : vector<1x128xf32>
      %add3A_245 = arith.addf %scan3A_167, %mul3A_244 : vector<1x128xf32>
      %eq3A_246 = arith.constant 1 : i32
      %eq3A_247 = vector.broadcast %eq3A_246 : i32 to vector<1x128xi32>
      %eq3A_248 = arith.cmpi eq, %iota3A, %eq3A_247 : vector<1x128xi32>
      %convert_element_type3A_249 = arith.extui %eq3A_248 : vector<1x128xi1> to vector<1x128xi32>
      %convert_element_type3A_250 = arith.sitofp %convert_element_type3A_249 : vector<1x128xi32> to vector<1x128xf32>
      %mul3A_251 = vector.broadcast %convert_element_type3A_233 : f32 to vector<1x128xf32>
      %mul3A_252 = arith.mulf %mul3A_251, %convert_element_type3A_250 : vector<1x128xf32>
      %add3A_253 = arith.addf %add3A_245, %mul3A_252 : vector<1x128xf32>
      %mul3A_254 = arith.constant 9 : i32
      %mul3A_255 = arith.muli %scan3A_166, %mul3A_254 : i32
      %add3A_256 = arith.constant 1 : i32
      %add3A_257 = arith.addi %mul3A_255, %add3A_256 : i32
      %get3A_258 = arith.index_cast %add3A_257 : i32 to index
      %get3A_259 = memref.load %arg4[%get3A_258] : memref<432xi32, #tpu.memory_space<smem>>
      %get3A_260 = arith.index_cast %add3A_257 : i32 to index
      %get3A_261 = memref.load %arg5[%get3A_260] : memref<432xi32, #tpu.memory_space<smem>>
      %get3A_262 = arith.index_cast %rem3A_168 : i32 to index
      %get3A_263 = arith.index_cast %get3A_259 : i32 to index
      %get3A_264 = arith.index_cast %get3A_261 : i32 to index
      %get3A_265 = arith.constant 0 : index
      %get3A_266 = arith.constant 0 : index
      %get3A_267 = vector.load %arg10[%get3A_262, %get3A_263, %get3A_264, %get3A_265, %get3A_266] : memref<8x3x3x64x64xf32, #tpu.memory_space<vmem>>, vector<1x1x1x64x64xf32>
      %get3A_268 = vector.shape_cast %get3A_267 : vector<1x1x1x64x64xf32> to vector<64x64xf32>
      %logistic3A_269 = arith.negf %get3A_268 : vector<64x64xf32>
      %logistic3A_270 = math.exp %logistic3A_269 : vector<64x64xf32>
      %logistic3A_271 = arith.constant 1.000000e+00 : f32
      %logistic3A_272 = vector.broadcast %logistic3A_271 : f32 to vector<64x64xf32>
      %logistic3A_273 = arith.addf %logistic3A_272, %logistic3A_270 : vector<64x64xf32>
      %logistic3A_274 = arith.divf %logistic3A_272, %logistic3A_273 : vector<64x64xf32>
      %mul3A_275 = arith.mulf %logistic3A_274, %get3A_190 : vector<64x64xf32>
      %reduce_sum3A_276 = vector.shape_cast %mul3A_275 : vector<64x64xf32> to vector<1x64x64xf32>
      %reduce_sum3A_277 = arith.constant dense<0.000000e+00> : vector<1xf32>
      %reduce_sum3A_278 = vector.multi_reduction <add>, %reduce_sum3A_276, %reduce_sum3A_277 [1, 2] : vector<1x64x64xf32> to vector<1xf32>
      %reduce_sum3A_279 = vector.shape_cast %reduce_sum3A_278 : vector<1xf32> to vector<1x1x1xf32>
      %reduce_sum3A_280 = vector.extract %reduce_sum3A_279[0, 0, 0] : f32 from vector<1x1x1xf32>
      %mul3A_281 = arith.mulf %logistic3A_274, %logistic3A_274 : vector<64x64xf32>
      %reduce_sum3A_282 = vector.shape_cast %mul3A_281 : vector<64x64xf32> to vector<1x64x64xf32>
      %reduce_sum3A_283 = arith.constant dense<0.000000e+00> : vector<1xf32>
      %reduce_sum3A_284 = vector.multi_reduction <add>, %reduce_sum3A_282, %reduce_sum3A_283 [1, 2] : vector<1x64x64xf32> to vector<1xf32>
      %reduce_sum3A_285 = vector.shape_cast %reduce_sum3A_284 : vector<1xf32> to vector<1x1x1xf32>
      %reduce_sum3A_286 = vector.extract %reduce_sum3A_285[0, 0, 0] : f32 from vector<1x1x1xf32>
      %add3A_287 = arith.constant 9.99999974E-5 : f32
      %add3A_288 = arith.addf %reduce_sum3A_286, %add3A_287 : f32
      %get3A_289 = arith.index_cast %add3A_257 : i32 to index
      %get3A_290 = memref.load %arg6[%get3A_289] : memref<432xi32, #tpu.memory_space<smem>>
      %gt3A_291 = arith.constant 0 : i32
      %gt3A_292 = arith.cmpi sgt, %get3A_290, %gt3A_291 : i32
      %convert_element_type3A_293 = arith.extui %gt3A_292 : i1 to i32
      %convert_element_type3A_294 = arith.sitofp %convert_element_type3A_293 : i32 to f32
      %mul3A_295 = arith.constant 2.000000e+00 : f32
      %mul3A_296 = arith.mulf %mul3A_295, %reduce_sum3A_280 : f32
      %add3A_297 = arith.addf %add3A_288, %add3A_195 : f32
      %div3A_298 = arith.divf %mul3A_296, %add3A_297 : f32
      %sub3A_299 = arith.constant 1.000000e+00 : f32
      %sub3A_300 = arith.subf %sub3A_299, %div3A_298 : f32
      %mul3A_301 = arith.mulf %convert_element_type3A_294, %sub3A_300 : f32
      %eq3A_302 = arith.constant 0 : i32
      %eq3A_303 = vector.broadcast %eq3A_302 : i32 to vector<1x128xi32>
      %eq3A_304 = arith.cmpi eq, %iota3A, %eq3A_303 : vector<1x128xi32>
      %convert_element_type3A_305 = arith.extui %eq3A_304 : vector<1x128xi1> to vector<1x128xi32>
      %convert_element_type3A_306 = arith.sitofp %convert_element_type3A_305 : vector<1x128xi32> to vector<1x128xf32>
      %mul3A_307 = vector.broadcast %mul3A_301 : f32 to vector<1x128xf32>
      %mul3A_308 = arith.mulf %mul3A_307, %convert_element_type3A_306 : vector<1x128xf32>
      %add3A_309 = arith.addf %add3A_253, %mul3A_308 : vector<1x128xf32>
      %eq3A_310 = arith.constant 1 : i32
      %eq3A_311 = vector.broadcast %eq3A_310 : i32 to vector<1x128xi32>
      %eq3A_312 = arith.cmpi eq, %iota3A, %eq3A_311 : vector<1x128xi32>
      %convert_element_type3A_313 = arith.extui %eq3A_312 : vector<1x128xi1> to vector<1x128xi32>
      %convert_element_type3A_314 = arith.sitofp %convert_element_type3A_313 : vector<1x128xi32> to vector<1x128xf32>
      %mul3A_315 = vector.broadcast %convert_element_type3A_294 : f32 to vector<1x128xf32>
      %mul3A_316 = arith.mulf %mul3A_315, %convert_element_type3A_314 : vector<1x128xf32>
      %add3A_317 = arith.addf %add3A_309, %mul3A_316 : vector<1x128xf32>
      %mul3A_318 = arith.constant 9 : i32
      %mul3A_319 = arith.muli %scan3A_166, %mul3A_318 : i32
      %add3A_320 = arith.constant 2 : i32
      %add3A_321 = arith.addi %mul3A_319, %add3A_320 : i32
      %get3A_322 = arith.index_cast %add3A_321 : i32 to index
      %get3A_323 = memref.load %arg4[%get3A_322] : memref<432xi32, #tpu.memory_space<smem>>
      %get3A_324 = arith.index_cast %add3A_321 : i32 to index
      %get3A_325 = memref.load %arg5[%get3A_324] : memref<432xi32, #tpu.memory_space<smem>>
      %get3A_326 = arith.index_cast %rem3A_168 : i32 to index
      %get3A_327 = arith.index_cast %get3A_323 : i32 to index
      %get3A_328 = arith.index_cast %get3A_325 : i32 to index
      %get3A_329 = arith.constant 0 : index
      %get3A_330 = arith.constant 0 : index
      %get3A_331 = vector.load %arg10[%get3A_326, %get3A_327, %get3A_328, %get3A_329, %get3A_330] : memref<8x3x3x64x64xf32, #tpu.memory_space<vmem>>, vector<1x1x1x64x64xf32>
      %get3A_332 = vector.shape_cast %get3A_331 : vector<1x1x1x64x64xf32> to vector<64x64xf32>
      %logistic3A_333 = arith.negf %get3A_332 : vector<64x64xf32>
      %logistic3A_334 = math.exp %logistic3A_333 : vector<64x64xf32>
      %logistic3A_335 = arith.constant 1.000000e+00 : f32
      %logistic3A_336 = vector.broadcast %logistic3A_335 : f32 to vector<64x64xf32>
      %logistic3A_337 = arith.addf %logistic3A_336, %logistic3A_334 : vector<64x64xf32>
      %logistic3A_338 = arith.divf %logistic3A_336, %logistic3A_337 : vector<64x64xf32>
      %mul3A_339 = arith.mulf %logistic3A_338, %get3A_190 : vector<64x64xf32>
      %reduce_sum3A_340 = vector.shape_cast %mul3A_339 : vector<64x64xf32> to vector<1x64x64xf32>
      %reduce_sum3A_341 = arith.constant dense<0.000000e+00> : vector<1xf32>
      %reduce_sum3A_342 = vector.multi_reduction <add>, %reduce_sum3A_340, %reduce_sum3A_341 [1, 2] : vector<1x64x64xf32> to vector<1xf32>
      %reduce_sum3A_343 = vector.shape_cast %reduce_sum3A_342 : vector<1xf32> to vector<1x1x1xf32>
      %reduce_sum3A_344 = vector.extract %reduce_sum3A_343[0, 0, 0] : f32 from vector<1x1x1xf32>
      %mul3A_345 = arith.mulf %logistic3A_338, %logistic3A_338 : vector<64x64xf32>
      %reduce_sum3A_346 = vector.shape_cast %mul3A_345 : vector<64x64xf32> to vector<1x64x64xf32>
      %reduce_sum3A_347 = arith.constant dense<0.000000e+00> : vector<1xf32>
      %reduce_sum3A_348 = vector.multi_reduction <add>, %reduce_sum3A_346, %reduce_sum3A_347 [1, 2] : vector<1x64x64xf32> to vector<1xf32>
      %reduce_sum3A_349 = vector.shape_cast %reduce_sum3A_348 : vector<1xf32> to vector<1x1x1xf32>
      %reduce_sum3A_350 = vector.extract %reduce_sum3A_349[0, 0, 0] : f32 from vector<1x1x1xf32>
      %add3A_351 = arith.constant 9.99999974E-5 : f32
      %add3A_352 = arith.addf %reduce_sum3A_350, %add3A_351 : f32
      %get3A_353 = arith.index_cast %add3A_321 : i32 to index
      %get3A_354 = memref.load %arg6[%get3A_353] : memref<432xi32, #tpu.memory_space<smem>>
      %gt3A_355 = arith.constant 0 : i32
      %gt3A_356 = arith.cmpi sgt, %get3A_354, %gt3A_355 : i32
      %convert_element_type3A_357 = arith.extui %gt3A_356 : i1 to i32
      %convert_element_type3A_358 = arith.sitofp %convert_element_type3A_357 : i32 to f32
      %mul3A_359 = arith.constant 2.000000e+00 : f32
      %mul3A_360 = arith.mulf %mul3A_359, %reduce_sum3A_344 : f32
      %add3A_361 = arith.addf %add3A_352, %add3A_195 : f32
      %div3A_362 = arith.divf %mul3A_360, %add3A_361 : f32
      %sub3A_363 = arith.constant 1.000000e+00 : f32
      %sub3A_364 = arith.subf %sub3A_363, %div3A_362 : f32
      %mul3A_365 = arith.mulf %convert_element_type3A_358, %sub3A_364 : f32
      %eq3A_366 = arith.constant 0 : i32
      %eq3A_367 = vector.broadcast %eq3A_366 : i32 to vector<1x128xi32>
      %eq3A_368 = arith.cmpi eq, %iota3A, %eq3A_367 : vector<1x128xi32>
      %convert_element_type3A_369 = arith.extui %eq3A_368 : vector<1x128xi1> to vector<1x128xi32>
      %convert_element_type3A_370 = arith.sitofp %convert_element_type3A_369 : vector<1x128xi32> to vector<1x128xf32>
      %mul3A_371 = vector.broadcast %mul3A_365 : f32 to vector<1x128xf32>
      %mul3A_372 = arith.mulf %mul3A_371, %convert_element_type3A_370 : vector<1x128xf32>
      %add3A_373 = arith.addf %add3A_317, %mul3A_372 : vector<1x128xf32>
      %eq3A_374 = arith.constant 1 : i32
      %eq3A_375 = vector.broadcast %eq3A_374 : i32 to vector<1x128xi32>
      %eq3A_376 = arith.cmpi eq, %iota3A, %eq3A_375 : vector<1x128xi32>
      %convert_element_type3A_377 = arith.extui %eq3A_376 : vector<1x128xi1> to vector<1x128xi32>
      %convert_element_type3A_378 = arith.sitofp %convert_element_type3A_377 : vector<1x128xi32> to vector<1x128xf32>
      %mul3A_379 = vector.broadcast %convert_element_type3A_358 : f32 to vector<1x128xf32>
      %mul3A_380 = arith.mulf %mul3A_379, %convert_element_type3A_378 : vector<1x128xf32>
      %add3A_381 = arith.addf %add3A_373, %mul3A_380 : vector<1x128xf32>
      %mul3A_382 = arith.constant 9 : i32
      %mul3A_383 = arith.muli %scan3A_166, %mul3A_382 : i32
      %add3A_384 = arith.constant 3 : i32
      %add3A_385 = arith.addi %mul3A_383, %add3A_384 : i32
      %get3A_386 = arith.index_cast %add3A_385 : i32 to index
      %get3A_387 = memref.load %arg4[%get3A_386] : memref<432xi32, #tpu.memory_space<smem>>
      %get3A_388 = arith.index_cast %add3A_385 : i32 to index
      %get3A_389 = memref.load %arg5[%get3A_388] : memref<432xi32, #tpu.memory_space<smem>>
      %get3A_390 = arith.index_cast %rem3A_168 : i32 to index
      %get3A_391 = arith.index_cast %get3A_387 : i32 to index
      %get3A_392 = arith.index_cast %get3A_389 : i32 to index
      %get3A_393 = arith.constant 0 : index
      %get3A_394 = arith.constant 0 : index
      %get3A_395 = vector.load %arg10[%get3A_390, %get3A_391, %get3A_392, %get3A_393, %get3A_394] : memref<8x3x3x64x64xf32, #tpu.memory_space<vmem>>, vector<1x1x1x64x64xf32>
      %get3A_396 = vector.shape_cast %get3A_395 : vector<1x1x1x64x64xf32> to vector<64x64xf32>
      %logistic3A_397 = arith.negf %get3A_396 : vector<64x64xf32>
      %logistic3A_398 = math.exp %logistic3A_397 : vector<64x64xf32>
      %logistic3A_399 = arith.constant 1.000000e+00 : f32
      %logistic3A_400 = vector.broadcast %logistic3A_399 : f32 to vector<64x64xf32>
      %logistic3A_401 = arith.addf %logistic3A_400, %logistic3A_398 : vector<64x64xf32>
      %logistic3A_402 = arith.divf %logistic3A_400, %logistic3A_401 : vector<64x64xf32>
      %mul3A_403 = arith.mulf %logistic3A_402, %get3A_190 : vector<64x64xf32>
      %reduce_sum3A_404 = vector.shape_cast %mul3A_403 : vector<64x64xf32> to vector<1x64x64xf32>
      %reduce_sum3A_405 = arith.constant dense<0.000000e+00> : vector<1xf32>
      %reduce_sum3A_406 = vector.multi_reduction <add>, %reduce_sum3A_404, %reduce_sum3A_405 [1, 2] : vector<1x64x64xf32> to vector<1xf32>
      %reduce_sum3A_407 = vector.shape_cast %reduce_sum3A_406 : vector<1xf32> to vector<1x1x1xf32>
      %reduce_sum3A_408 = vector.extract %reduce_sum3A_407[0, 0, 0] : f32 from vector<1x1x1xf32>
      %mul3A_409 = arith.mulf %logistic3A_402, %logistic3A_402 : vector<64x64xf32>
      %reduce_sum3A_410 = vector.shape_cast %mul3A_409 : vector<64x64xf32> to vector<1x64x64xf32>
      %reduce_sum3A_411 = arith.constant dense<0.000000e+00> : vector<1xf32>
      %reduce_sum3A_412 = vector.multi_reduction <add>, %reduce_sum3A_410, %reduce_sum3A_411 [1, 2] : vector<1x64x64xf32> to vector<1xf32>
      %reduce_sum3A_413 = vector.shape_cast %reduce_sum3A_412 : vector<1xf32> to vector<1x1x1xf32>
      %reduce_sum3A_414 = vector.extract %reduce_sum3A_413[0, 0, 0] : f32 from vector<1x1x1xf32>
      %add3A_415 = arith.constant 9.99999974E-5 : f32
      %add3A_416 = arith.addf %reduce_sum3A_414, %add3A_415 : f32
      %get3A_417 = arith.index_cast %add3A_385 : i32 to index
      %get3A_418 = memref.load %arg6[%get3A_417] : memref<432xi32, #tpu.memory_space<smem>>
      %gt3A_419 = arith.constant 0 : i32
      %gt3A_420 = arith.cmpi sgt, %get3A_418, %gt3A_419 : i32
      %convert_element_type3A_421 = arith.extui %gt3A_420 : i1 to i32
      %convert_element_type3A_422 = arith.sitofp %convert_element_type3A_421 : i32 to f32
      %mul3A_423 = arith.constant 2.000000e+00 : f32
      %mul3A_424 = arith.mulf %mul3A_423, %reduce_sum3A_408 : f32
      %add3A_425 = arith.addf %add3A_416, %add3A_195 : f32
      %div3A_426 = arith.divf %mul3A_424, %add3A_425 : f32
      %sub3A_427 = arith.constant 1.000000e+00 : f32
      %sub3A_428 = arith.subf %sub3A_427, %div3A_426 : f32
      %mul3A_429 = arith.mulf %convert_element_type3A_422, %sub3A_428 : f32
      %eq3A_430 = arith.constant 0 : i32
      %eq3A_431 = vector.broadcast %eq3A_430 : i32 to vector<1x128xi32>
      %eq3A_432 = arith.cmpi eq, %iota3A, %eq3A_431 : vector<1x128xi32>
      %convert_element_type3A_433 = arith.extui %eq3A_432 : vector<1x128xi1> to vector<1x128xi32>
      %convert_element_type3A_434 = arith.sitofp %convert_element_type3A_433 : vector<1x128xi32> to vector<1x128xf32>
      %mul3A_435 = vector.broadcast %mul3A_429 : f32 to vector<1x128xf32>
      %mul3A_436 = arith.mulf %mul3A_435, %convert_element_type3A_434 : vector<1x128xf32>
      %add3A_437 = arith.addf %add3A_381, %mul3A_436 : vector<1x128xf32>
      %eq3A_438 = arith.constant 1 : i32
      %eq3A_439 = vector.broadcast %eq3A_438 : i32 to vector<1x128xi32>
      %eq3A_440 = arith.cmpi eq, %iota3A, %eq3A_439 : vector<1x128xi32>
      %convert_element_type3A_441 = arith.extui %eq3A_440 : vector<1x128xi1> to vector<1x128xi32>
      %convert_element_type3A_442 = arith.sitofp %convert_element_type3A_441 : vector<1x128xi32> to vector<1x128xf32>
      %mul3A_443 = vector.broadcast %convert_element_type3A_422 : f32 to vector<1x128xf32>
      %mul3A_444 = arith.mulf %mul3A_443, %convert_element_type3A_442 : vector<1x128xf32>
      %add3A_445 = arith.addf %add3A_437, %mul3A_444 : vector<1x128xf32>
      %mul3A_446 = arith.constant 9 : i32
      %mul3A_447 = arith.muli %scan3A_166, %mul3A_446 : i32
      %add3A_448 = arith.constant 4 : i32
      %add3A_449 = arith.addi %mul3A_447, %add3A_448 : i32
      %get3A_450 = arith.index_cast %add3A_449 : i32 to index
      %get3A_451 = memref.load %arg4[%get3A_450] : memref<432xi32, #tpu.memory_space<smem>>
      %get3A_452 = arith.index_cast %add3A_449 : i32 to index
      %get3A_453 = memref.load %arg5[%get3A_452] : memref<432xi32, #tpu.memory_space<smem>>
      %get3A_454 = arith.index_cast %rem3A_168 : i32 to index
      %get3A_455 = arith.index_cast %get3A_451 : i32 to index
      %get3A_456 = arith.index_cast %get3A_453 : i32 to index
      %get3A_457 = arith.constant 0 : index
      %get3A_458 = arith.constant 0 : index
      %get3A_459 = vector.load %arg10[%get3A_454, %get3A_455, %get3A_456, %get3A_457, %get3A_458] : memref<8x3x3x64x64xf32, #tpu.memory_space<vmem>>, vector<1x1x1x64x64xf32>
      %get3A_460 = vector.shape_cast %get3A_459 : vector<1x1x1x64x64xf32> to vector<64x64xf32>
      %logistic3A_461 = arith.negf %get3A_460 : vector<64x64xf32>
      %logistic3A_462 = math.exp %logistic3A_461 : vector<64x64xf32>
      %logistic3A_463 = arith.constant 1.000000e+00 : f32
      %logistic3A_464 = vector.broadcast %logistic3A_463 : f32 to vector<64x64xf32>
      %logistic3A_465 = arith.addf %logistic3A_464, %logistic3A_462 : vector<64x64xf32>
      %logistic3A_466 = arith.divf %logistic3A_464, %logistic3A_465 : vector<64x64xf32>
      %mul3A_467 = arith.mulf %logistic3A_466, %get3A_190 : vector<64x64xf32>
      %reduce_sum3A_468 = vector.shape_cast %mul3A_467 : vector<64x64xf32> to vector<1x64x64xf32>
      %reduce_sum3A_469 = arith.constant dense<0.000000e+00> : vector<1xf32>
      %reduce_sum3A_470 = vector.multi_reduction <add>, %reduce_sum3A_468, %reduce_sum3A_469 [1, 2] : vector<1x64x64xf32> to vector<1xf32>
      %reduce_sum3A_471 = vector.shape_cast %reduce_sum3A_470 : vector<1xf32> to vector<1x1x1xf32>
      %reduce_sum3A_472 = vector.extract %reduce_sum3A_471[0, 0, 0] : f32 from vector<1x1x1xf32>
      %mul3A_473 = arith.mulf %logistic3A_466, %logistic3A_466 : vector<64x64xf32>
      %reduce_sum3A_474 = vector.shape_cast %mul3A_473 : vector<64x64xf32> to vector<1x64x64xf32>
      %reduce_sum3A_475 = arith.constant dense<0.000000e+00> : vector<1xf32>
      %reduce_sum3A_476 = vector.multi_reduction <add>, %reduce_sum3A_474, %reduce_sum3A_475 [1, 2] : vector<1x64x64xf32> to vector<1xf32>
      %reduce_sum3A_477 = vector.shape_cast %reduce_sum3A_476 : vector<1xf32> to vector<1x1x1xf32>
      %reduce_sum3A_478 = vector.extract %reduce_sum3A_477[0, 0, 0] : f32 from vector<1x1x1xf32>
      %add3A_479 = arith.constant 9.99999974E-5 : f32
      %add3A_480 = arith.addf %reduce_sum3A_478, %add3A_479 : f32
      %get3A_481 = arith.index_cast %add3A_449 : i32 to index
      %get3A_482 = memref.load %arg6[%get3A_481] : memref<432xi32, #tpu.memory_space<smem>>
      %gt3A_483 = arith.constant 0 : i32
      %gt3A_484 = arith.cmpi sgt, %get3A_482, %gt3A_483 : i32
      %convert_element_type3A_485 = arith.extui %gt3A_484 : i1 to i32
      %convert_element_type3A_486 = arith.sitofp %convert_element_type3A_485 : i32 to f32
      %mul3A_487 = arith.constant 2.000000e+00 : f32
      %mul3A_488 = arith.mulf %mul3A_487, %reduce_sum3A_472 : f32
      %add3A_489 = arith.addf %add3A_480, %add3A_195 : f32
      %div3A_490 = arith.divf %mul3A_488, %add3A_489 : f32
      %sub3A_491 = arith.constant 1.000000e+00 : f32
      %sub3A_492 = arith.subf %sub3A_491, %div3A_490 : f32
      %mul3A_493 = arith.mulf %convert_element_type3A_486, %sub3A_492 : f32
      %eq3A_494 = arith.constant 0 : i32
      %eq3A_495 = vector.broadcast %eq3A_494 : i32 to vector<1x128xi32>
      %eq3A_496 = arith.cmpi eq, %iota3A, %eq3A_495 : vector<1x128xi32>
      %convert_element_type3A_497 = arith.extui %eq3A_496 : vector<1x128xi1> to vector<1x128xi32>
      %convert_element_type3A_498 = arith.sitofp %convert_element_type3A_497 : vector<1x128xi32> to vector<1x128xf32>
      %mul3A_499 = vector.broadcast %mul3A_493 : f32 to vector<1x128xf32>
      %mul3A_500 = arith.mulf %mul3A_499, %convert_element_type3A_498 : vector<1x128xf32>
      %add3A_501 = arith.addf %add3A_445, %mul3A_500 : vector<1x128xf32>
      %eq3A_502 = arith.constant 1 : i32
      %eq3A_503 = vector.broadcast %eq3A_502 : i32 to vector<1x128xi32>
      %eq3A_504 = arith.cmpi eq, %iota3A, %eq3A_503 : vector<1x128xi32>
      %convert_element_type3A_505 = arith.extui %eq3A_504 : vector<1x128xi1> to vector<1x128xi32>
      %convert_element_type3A_506 = arith.sitofp %convert_element_type3A_505 : vector<1x128xi32> to vector<1x128xf32>
      %mul3A_507 = vector.broadcast %convert_element_type3A_486 : f32 to vector<1x128xf32>
      %mul3A_508 = arith.mulf %mul3A_507, %convert_element_type3A_506 : vector<1x128xf32>
      %add3A_509 = arith.addf %add3A_501, %mul3A_508 : vector<1x128xf32>
      %mul3A_510 = arith.constant 9 : i32
      %mul3A_511 = arith.muli %scan3A_166, %mul3A_510 : i32
      %add3A_512 = arith.constant 5 : i32
      %add3A_513 = arith.addi %mul3A_511, %add3A_512 : i32
      %get3A_514 = arith.index_cast %add3A_513 : i32 to index
      %get3A_515 = memref.load %arg4[%get3A_514] : memref<432xi32, #tpu.memory_space<smem>>
      %get3A_516 = arith.index_cast %add3A_513 : i32 to index
      %get3A_517 = memref.load %arg5[%get3A_516] : memref<432xi32, #tpu.memory_space<smem>>
      %get3A_518 = arith.index_cast %rem3A_168 : i32 to index
      %get3A_519 = arith.index_cast %get3A_515 : i32 to index
      %get3A_520 = arith.index_cast %get3A_517 : i32 to index
      %get3A_521 = arith.constant 0 : index
      %get3A_522 = arith.constant 0 : index
      %get3A_523 = vector.load %arg10[%get3A_518, %get3A_519, %get3A_520, %get3A_521, %get3A_522] : memref<8x3x3x64x64xf32, #tpu.memory_space<vmem>>, vector<1x1x1x64x64xf32>
      %get3A_524 = vector.shape_cast %get3A_523 : vector<1x1x1x64x64xf32> to vector<64x64xf32>
      %logistic3A_525 = arith.negf %get3A_524 : vector<64x64xf32>
      %logistic3A_526 = math.exp %logistic3A_525 : vector<64x64xf32>
      %logistic3A_527 = arith.constant 1.000000e+00 : f32
      %logistic3A_528 = vector.broadcast %logistic3A_527 : f32 to vector<64x64xf32>
      %logistic3A_529 = arith.addf %logistic3A_528, %logistic3A_526 : vector<64x64xf32>
      %logistic3A_530 = arith.divf %logistic3A_528, %logistic3A_529 : vector<64x64xf32>
      %mul3A_531 = arith.mulf %logistic3A_530, %get3A_190 : vector<64x64xf32>
      %reduce_sum3A_532 = vector.shape_cast %mul3A_531 : vector<64x64xf32> to vector<1x64x64xf32>
      %reduce_sum3A_533 = arith.constant dense<0.000000e+00> : vector<1xf32>
      %reduce_sum3A_534 = vector.multi_reduction <add>, %reduce_sum3A_532, %reduce_sum3A_533 [1, 2] : vector<1x64x64xf32> to vector<1xf32>
      %reduce_sum3A_535 = vector.shape_cast %reduce_sum3A_534 : vector<1xf32> to vector<1x1x1xf32>
      %reduce_sum3A_536 = vector.extract %reduce_sum3A_535[0, 0, 0] : f32 from vector<1x1x1xf32>
      %mul3A_537 = arith.mulf %logistic3A_530, %logistic3A_530 : vector<64x64xf32>
      %reduce_sum3A_538 = vector.shape_cast %mul3A_537 : vector<64x64xf32> to vector<1x64x64xf32>
      %reduce_sum3A_539 = arith.constant dense<0.000000e+00> : vector<1xf32>
      %reduce_sum3A_540 = vector.multi_reduction <add>, %reduce_sum3A_538, %reduce_sum3A_539 [1, 2] : vector<1x64x64xf32> to vector<1xf32>
      %reduce_sum3A_541 = vector.shape_cast %reduce_sum3A_540 : vector<1xf32> to vector<1x1x1xf32>
      %reduce_sum3A_542 = vector.extract %reduce_sum3A_541[0, 0, 0] : f32 from vector<1x1x1xf32>
      %add3A_543 = arith.constant 9.99999974E-5 : f32
      %add3A_544 = arith.addf %reduce_sum3A_542, %add3A_543 : f32
      %get3A_545 = arith.index_cast %add3A_513 : i32 to index
      %get3A_546 = memref.load %arg6[%get3A_545] : memref<432xi32, #tpu.memory_space<smem>>
      %gt3A_547 = arith.constant 0 : i32
      %gt3A_548 = arith.cmpi sgt, %get3A_546, %gt3A_547 : i32
      %convert_element_type3A_549 = arith.extui %gt3A_548 : i1 to i32
      %convert_element_type3A_550 = arith.sitofp %convert_element_type3A_549 : i32 to f32
      %mul3A_551 = arith.constant 2.000000e+00 : f32
      %mul3A_552 = arith.mulf %mul3A_551, %reduce_sum3A_536 : f32
      %add3A_553 = arith.addf %add3A_544, %add3A_195 : f32
      %div3A_554 = arith.divf %mul3A_552, %add3A_553 : f32
      %sub3A_555 = arith.constant 1.000000e+00 : f32
      %sub3A_556 = arith.subf %sub3A_555, %div3A_554 : f32
      %mul3A_557 = arith.mulf %convert_element_type3A_550, %sub3A_556 : f32
      %eq3A_558 = arith.constant 0 : i32
      %eq3A_559 = vector.broadcast %eq3A_558 : i32 to vector<1x128xi32>
      %eq3A_560 = arith.cmpi eq, %iota3A, %eq3A_559 : vector<1x128xi32>
      %convert_element_type3A_561 = arith.extui %eq3A_560 : vector<1x128xi1> to vector<1x128xi32>
      %convert_element_type3A_562 = arith.sitofp %convert_element_type3A_561 : vector<1x128xi32> to vector<1x128xf32>
      %mul3A_563 = vector.broadcast %mul3A_557 : f32 to vector<1x128xf32>
      %mul3A_564 = arith.mulf %mul3A_563, %convert_element_type3A_562 : vector<1x128xf32>
      %add3A_565 = arith.addf %add3A_509, %mul3A_564 : vector<1x128xf32>
      %eq3A_566 = arith.constant 1 : i32
      %eq3A_567 = vector.broadcast %eq3A_566 : i32 to vector<1x128xi32>
      %eq3A_568 = arith.cmpi eq, %iota3A, %eq3A_567 : vector<1x128xi32>
      %convert_element_type3A_569 = arith.extui %eq3A_568 : vector<1x128xi1> to vector<1x128xi32>
      %convert_element_type3A_570 = arith.sitofp %convert_element_type3A_569 : vector<1x128xi32> to vector<1x128xf32>
      %mul3A_571 = vector.broadcast %convert_element_type3A_550 : f32 to vector<1x128xf32>
      %mul3A_572 = arith.mulf %mul3A_571, %convert_element_type3A_570 : vector<1x128xf32>
      %add3A_573 = arith.addf %add3A_565, %mul3A_572 : vector<1x128xf32>
      %mul3A_574 = arith.constant 9 : i32
      %mul3A_575 = arith.muli %scan3A_166, %mul3A_574 : i32
      %add3A_576 = arith.constant 6 : i32
      %add3A_577 = arith.addi %mul3A_575, %add3A_576 : i32
      %get3A_578 = arith.index_cast %add3A_577 : i32 to index
      %get3A_579 = memref.load %arg4[%get3A_578] : memref<432xi32, #tpu.memory_space<smem>>
      %get3A_580 = arith.index_cast %add3A_577 : i32 to index
      %get3A_581 = memref.load %arg5[%get3A_580] : memref<432xi32, #tpu.memory_space<smem>>
      %get3A_582 = arith.index_cast %rem3A_168 : i32 to index
      %get3A_583 = arith.index_cast %get3A_579 : i32 to index
      %get3A_584 = arith.index_cast %get3A_581 : i32 to index
      %get3A_585 = arith.constant 0 : index
      %get3A_586 = arith.constant 0 : index
      %get3A_587 = vector.load %arg10[%get3A_582, %get3A_583, %get3A_584, %get3A_585, %get3A_586] : memref<8x3x3x64x64xf32, #tpu.memory_space<vmem>>, vector<1x1x1x64x64xf32>
      %get3A_588 = vector.shape_cast %get3A_587 : vector<1x1x1x64x64xf32> to vector<64x64xf32>
      %logistic3A_589 = arith.negf %get3A_588 : vector<64x64xf32>
      %logistic3A_590 = math.exp %logistic3A_589 : vector<64x64xf32>
      %logistic3A_591 = arith.constant 1.000000e+00 : f32
      %logistic3A_592 = vector.broadcast %logistic3A_591 : f32 to vector<64x64xf32>
      %logistic3A_593 = arith.addf %logistic3A_592, %logistic3A_590 : vector<64x64xf32>
      %logistic3A_594 = arith.divf %logistic3A_592, %logistic3A_593 : vector<64x64xf32>
      %mul3A_595 = arith.mulf %logistic3A_594, %get3A_190 : vector<64x64xf32>
      %reduce_sum3A_596 = vector.shape_cast %mul3A_595 : vector<64x64xf32> to vector<1x64x64xf32>
      %reduce_sum3A_597 = arith.constant dense<0.000000e+00> : vector<1xf32>
      %reduce_sum3A_598 = vector.multi_reduction <add>, %reduce_sum3A_596, %reduce_sum3A_597 [1, 2] : vector<1x64x64xf32> to vector<1xf32>
      %reduce_sum3A_599 = vector.shape_cast %reduce_sum3A_598 : vector<1xf32> to vector<1x1x1xf32>
      %reduce_sum3A_600 = vector.extract %reduce_sum3A_599[0, 0, 0] : f32 from vector<1x1x1xf32>
      %mul3A_601 = arith.mulf %logistic3A_594, %logistic3A_594 : vector<64x64xf32>
      %reduce_sum3A_602 = vector.shape_cast %mul3A_601 : vector<64x64xf32> to vector<1x64x64xf32>
      %reduce_sum3A_603 = arith.constant dense<0.000000e+00> : vector<1xf32>
      %reduce_sum3A_604 = vector.multi_reduction <add>, %reduce_sum3A_602, %reduce_sum3A_603 [1, 2] : vector<1x64x64xf32> to vector<1xf32>
      %reduce_sum3A_605 = vector.shape_cast %reduce_sum3A_604 : vector<1xf32> to vector<1x1x1xf32>
      %reduce_sum3A_606 = vector.extract %reduce_sum3A_605[0, 0, 0] : f32 from vector<1x1x1xf32>
      %add3A_607 = arith.constant 9.99999974E-5 : f32
      %add3A_608 = arith.addf %reduce_sum3A_606, %add3A_607 : f32
      %get3A_609 = arith.index_cast %add3A_577 : i32 to index
      %get3A_610 = memref.load %arg6[%get3A_609] : memref<432xi32, #tpu.memory_space<smem>>
      %gt3A_611 = arith.constant 0 : i32
      %gt3A_612 = arith.cmpi sgt, %get3A_610, %gt3A_611 : i32
      %convert_element_type3A_613 = arith.extui %gt3A_612 : i1 to i32
      %convert_element_type3A_614 = arith.sitofp %convert_element_type3A_613 : i32 to f32
      %mul3A_615 = arith.constant 2.000000e+00 : f32
      %mul3A_616 = arith.mulf %mul3A_615, %reduce_sum3A_600 : f32
      %add3A_617 = arith.addf %add3A_608, %add3A_195 : f32
      %div3A_618 = arith.divf %mul3A_616, %add3A_617 : f32
      %sub3A_619 = arith.constant 1.000000e+00 : f32
      %sub3A_620 = arith.subf %sub3A_619, %div3A_618 : f32
      %mul3A_621 = arith.mulf %convert_element_type3A_614, %sub3A_620 : f32
      %eq3A_622 = arith.constant 0 : i32
      %eq3A_623 = vector.broadcast %eq3A_622 : i32 to vector<1x128xi32>
      %eq3A_624 = arith.cmpi eq, %iota3A, %eq3A_623 : vector<1x128xi32>
      %convert_element_type3A_625 = arith.extui %eq3A_624 : vector<1x128xi1> to vector<1x128xi32>
      %convert_element_type3A_626 = arith.sitofp %convert_element_type3A_625 : vector<1x128xi32> to vector<1x128xf32>
      %mul3A_627 = vector.broadcast %mul3A_621 : f32 to vector<1x128xf32>
      %mul3A_628 = arith.mulf %mul3A_627, %convert_element_type3A_626 : vector<1x128xf32>
      %add3A_629 = arith.addf %add3A_573, %mul3A_628 : vector<1x128xf32>
      %eq3A_630 = arith.constant 1 : i32
      %eq3A_631 = vector.broadcast %eq3A_630 : i32 to vector<1x128xi32>
      %eq3A_632 = arith.cmpi eq, %iota3A, %eq3A_631 : vector<1x128xi32>
      %convert_element_type3A_633 = arith.extui %eq3A_632 : vector<1x128xi1> to vector<1x128xi32>
      %convert_element_type3A_634 = arith.sitofp %convert_element_type3A_633 : vector<1x128xi32> to vector<1x128xf32>
      %mul3A_635 = vector.broadcast %convert_element_type3A_614 : f32 to vector<1x128xf32>
      %mul3A_636 = arith.mulf %mul3A_635, %convert_element_type3A_634 : vector<1x128xf32>
      %add3A_637 = arith.addf %add3A_629, %mul3A_636 : vector<1x128xf32>
      %mul3A_638 = arith.constant 9 : i32
      %mul3A_639 = arith.muli %scan3A_166, %mul3A_638 : i32
      %add3A_640 = arith.constant 7 : i32
      %add3A_641 = arith.addi %mul3A_639, %add3A_640 : i32
      %get3A_642 = arith.index_cast %add3A_641 : i32 to index
      %get3A_643 = memref.load %arg4[%get3A_642] : memref<432xi32, #tpu.memory_space<smem>>
      %get3A_644 = arith.index_cast %add3A_641 : i32 to index
      %get3A_645 = memref.load %arg5[%get3A_644] : memref<432xi32, #tpu.memory_space<smem>>
      %get3A_646 = arith.index_cast %rem3A_168 : i32 to index
      %get3A_647 = arith.index_cast %get3A_643 : i32 to index
      %get3A_648 = arith.index_cast %get3A_645 : i32 to index
      %get3A_649 = arith.constant 0 : index
      %get3A_650 = arith.constant 0 : index
      %get3A_651 = vector.load %arg10[%get3A_646, %get3A_647, %get3A_648, %get3A_649, %get3A_650] : memref<8x3x3x64x64xf32, #tpu.memory_space<vmem>>, vector<1x1x1x64x64xf32>
      %get3A_652 = vector.shape_cast %get3A_651 : vector<1x1x1x64x64xf32> to vector<64x64xf32>
      %logistic3A_653 = arith.negf %get3A_652 : vector<64x64xf32>
      %logistic3A_654 = math.exp %logistic3A_653 : vector<64x64xf32>
      %logistic3A_655 = arith.constant 1.000000e+00 : f32
      %logistic3A_656 = vector.broadcast %logistic3A_655 : f32 to vector<64x64xf32>
      %logistic3A_657 = arith.addf %logistic3A_656, %logistic3A_654 : vector<64x64xf32>
      %logistic3A_658 = arith.divf %logistic3A_656, %logistic3A_657 : vector<64x64xf32>
      %mul3A_659 = arith.mulf %logistic3A_658, %get3A_190 : vector<64x64xf32>
      %reduce_sum3A_660 = vector.shape_cast %mul3A_659 : vector<64x64xf32> to vector<1x64x64xf32>
      %reduce_sum3A_661 = arith.constant dense<0.000000e+00> : vector<1xf32>
      %reduce_sum3A_662 = vector.multi_reduction <add>, %reduce_sum3A_660, %reduce_sum3A_661 [1, 2] : vector<1x64x64xf32> to vector<1xf32>
      %reduce_sum3A_663 = vector.shape_cast %reduce_sum3A_662 : vector<1xf32> to vector<1x1x1xf32>
      %reduce_sum3A_664 = vector.extract %reduce_sum3A_663[0, 0, 0] : f32 from vector<1x1x1xf32>
      %mul3A_665 = arith.mulf %logistic3A_658, %logistic3A_658 : vector<64x64xf32>
      %reduce_sum3A_666 = vector.shape_cast %mul3A_665 : vector<64x64xf32> to vector<1x64x64xf32>
      %reduce_sum3A_667 = arith.constant dense<0.000000e+00> : vector<1xf32>
      %reduce_sum3A_668 = vector.multi_reduction <add>, %reduce_sum3A_666, %reduce_sum3A_667 [1, 2] : vector<1x64x64xf32> to vector<1xf32>
      %reduce_sum3A_669 = vector.shape_cast %reduce_sum3A_668 : vector<1xf32> to vector<1x1x1xf32>
      %reduce_sum3A_670 = vector.extract %reduce_sum3A_669[0, 0, 0] : f32 from vector<1x1x1xf32>
      %add3A_671 = arith.constant 9.99999974E-5 : f32
      %add3A_672 = arith.addf %reduce_sum3A_670, %add3A_671 : f32
      %get3A_673 = arith.index_cast %add3A_641 : i32 to index
      %get3A_674 = memref.load %arg6[%get3A_673] : memref<432xi32, #tpu.memory_space<smem>>
      %gt3A_675 = arith.constant 0 : i32
      %gt3A_676 = arith.cmpi sgt, %get3A_674, %gt3A_675 : i32
      %convert_element_type3A_677 = arith.extui %gt3A_676 : i1 to i32
      %convert_element_type3A_678 = arith.sitofp %convert_element_type3A_677 : i32 to f32
      %mul3A_679 = arith.constant 2.000000e+00 : f32
      %mul3A_680 = arith.mulf %mul3A_679, %reduce_sum3A_664 : f32
      %add3A_681 = arith.addf %add3A_672, %add3A_195 : f32
      %div3A_682 = arith.divf %mul3A_680, %add3A_681 : f32
      %sub3A_683 = arith.constant 1.000000e+00 : f32
      %sub3A_684 = arith.subf %sub3A_683, %div3A_682 : f32
      %mul3A_685 = arith.mulf %convert_element_type3A_678, %sub3A_684 : f32
      %eq3A_686 = arith.constant 0 : i32
      %eq3A_687 = vector.broadcast %eq3A_686 : i32 to vector<1x128xi32>
      %eq3A_688 = arith.cmpi eq, %iota3A, %eq3A_687 : vector<1x128xi32>
      %convert_element_type3A_689 = arith.extui %eq3A_688 : vector<1x128xi1> to vector<1x128xi32>
      %convert_element_type3A_690 = arith.sitofp %convert_element_type3A_689 : vector<1x128xi32> to vector<1x128xf32>
      %mul3A_691 = vector.broadcast %mul3A_685 : f32 to vector<1x128xf32>
      %mul3A_692 = arith.mulf %mul3A_691, %convert_element_type3A_690 : vector<1x128xf32>
      %add3A_693 = arith.addf %add3A_637, %mul3A_692 : vector<1x128xf32>
      %eq3A_694 = arith.constant 1 : i32
      %eq3A_695 = vector.broadcast %eq3A_694 : i32 to vector<1x128xi32>
      %eq3A_696 = arith.cmpi eq, %iota3A, %eq3A_695 : vector<1x128xi32>
      %convert_element_type3A_697 = arith.extui %eq3A_696 : vector<1x128xi1> to vector<1x128xi32>
      %convert_element_type3A_698 = arith.sitofp %convert_element_type3A_697 : vector<1x128xi32> to vector<1x128xf32>
      %mul3A_699 = vector.broadcast %convert_element_type3A_678 : f32 to vector<1x128xf32>
      %mul3A_700 = arith.mulf %mul3A_699, %convert_element_type3A_698 : vector<1x128xf32>
      %add3A_701 = arith.addf %add3A_693, %mul3A_700 : vector<1x128xf32>
      %mul3A_702 = arith.constant 9 : i32
      %mul3A_703 = arith.muli %scan3A_166, %mul3A_702 : i32
      %add3A_704 = arith.constant 8 : i32
      %add3A_705 = arith.addi %mul3A_703, %add3A_704 : i32
      %get3A_706 = arith.index_cast %add3A_705 : i32 to index
      %get3A_707 = memref.load %arg4[%get3A_706] : memref<432xi32, #tpu.memory_space<smem>>
      %get3A_708 = arith.index_cast %add3A_705 : i32 to index
      %get3A_709 = memref.load %arg5[%get3A_708] : memref<432xi32, #tpu.memory_space<smem>>
      %get3A_710 = arith.index_cast %rem3A_168 : i32 to index
      %get3A_711 = arith.index_cast %get3A_707 : i32 to index
      %get3A_712 = arith.index_cast %get3A_709 : i32 to index
      %get3A_713 = arith.constant 0 : index
      %get3A_714 = arith.constant 0 : index
      %get3A_715 = vector.load %arg10[%get3A_710, %get3A_711, %get3A_712, %get3A_713, %get3A_714] : memref<8x3x3x64x64xf32, #tpu.memory_space<vmem>>, vector<1x1x1x64x64xf32>
      %get3A_716 = vector.shape_cast %get3A_715 : vector<1x1x1x64x64xf32> to vector<64x64xf32>
      %logistic3A_717 = arith.negf %get3A_716 : vector<64x64xf32>
      %logistic3A_718 = math.exp %logistic3A_717 : vector<64x64xf32>
      %logistic3A_719 = arith.constant 1.000000e+00 : f32
      %logistic3A_720 = vector.broadcast %logistic3A_719 : f32 to vector<64x64xf32>
      %logistic3A_721 = arith.addf %logistic3A_720, %logistic3A_718 : vector<64x64xf32>
      %logistic3A_722 = arith.divf %logistic3A_720, %logistic3A_721 : vector<64x64xf32>
      %mul3A_723 = arith.mulf %logistic3A_722, %get3A_190 : vector<64x64xf32>
      %reduce_sum3A_724 = vector.shape_cast %mul3A_723 : vector<64x64xf32> to vector<1x64x64xf32>
      %reduce_sum3A_725 = arith.constant dense<0.000000e+00> : vector<1xf32>
      %reduce_sum3A_726 = vector.multi_reduction <add>, %reduce_sum3A_724, %reduce_sum3A_725 [1, 2] : vector<1x64x64xf32> to vector<1xf32>
      %reduce_sum3A_727 = vector.shape_cast %reduce_sum3A_726 : vector<1xf32> to vector<1x1x1xf32>
      %reduce_sum3A_728 = vector.extract %reduce_sum3A_727[0, 0, 0] : f32 from vector<1x1x1xf32>
      %mul3A_729 = arith.mulf %logistic3A_722, %logistic3A_722 : vector<64x64xf32>
      %reduce_sum3A_730 = vector.shape_cast %mul3A_729 : vector<64x64xf32> to vector<1x64x64xf32>
      %reduce_sum3A_731 = arith.constant dense<0.000000e+00> : vector<1xf32>
      %reduce_sum3A_732 = vector.multi_reduction <add>, %reduce_sum3A_730, %reduce_sum3A_731 [1, 2] : vector<1x64x64xf32> to vector<1xf32>
      %reduce_sum3A_733 = vector.shape_cast %reduce_sum3A_732 : vector<1xf32> to vector<1x1x1xf32>
      %reduce_sum3A_734 = vector.extract %reduce_sum3A_733[0, 0, 0] : f32 from vector<1x1x1xf32>
      %add3A_735 = arith.constant 9.99999974E-5 : f32
      %add3A_736 = arith.addf %reduce_sum3A_734, %add3A_735 : f32
      %get3A_737 = arith.index_cast %add3A_705 : i32 to index
      %get3A_738 = memref.load %arg6[%get3A_737] : memref<432xi32, #tpu.memory_space<smem>>
      %gt3A_739 = arith.constant 0 : i32
      %gt3A_740 = arith.cmpi sgt, %get3A_738, %gt3A_739 : i32
      %convert_element_type3A_741 = arith.extui %gt3A_740 : i1 to i32
      %convert_element_type3A_742 = arith.sitofp %convert_element_type3A_741 : i32 to f32
      %mul3A_743 = arith.constant 2.000000e+00 : f32
      %mul3A_744 = arith.mulf %mul3A_743, %reduce_sum3A_728 : f32
      %add3A_745 = arith.addf %add3A_736, %add3A_195 : f32
      %div3A_746 = arith.divf %mul3A_744, %add3A_745 : f32
      %sub3A_747 = arith.constant 1.000000e+00 : f32
      %sub3A_748 = arith.subf %sub3A_747, %div3A_746 : f32
      %mul3A_749 = arith.mulf %convert_element_type3A_742, %sub3A_748 : f32
      %eq3A_750 = arith.constant 0 : i32
      %eq3A_751 = vector.broadcast %eq3A_750 : i32 to vector<1x128xi32>
      %eq3A_752 = arith.cmpi eq, %iota3A, %eq3A_751 : vector<1x128xi32>
      %convert_element_type3A_753 = arith.extui %eq3A_752 : vector<1x128xi1> to vector<1x128xi32>
      %convert_element_type3A_754 = arith.sitofp %convert_element_type3A_753 : vector<1x128xi32> to vector<1x128xf32>
      %mul3A_755 = vector.broadcast %mul3A_749 : f32 to vector<1x128xf32>
      %mul3A_756 = arith.mulf %mul3A_755, %convert_element_type3A_754 : vector<1x128xf32>
      %add3A_757 = arith.addf %add3A_701, %mul3A_756 : vector<1x128xf32>
      %eq3A_758 = arith.constant 1 : i32
      %eq3A_759 = vector.broadcast %eq3A_758 : i32 to vector<1x128xi32>
      %eq3A_760 = arith.cmpi eq, %iota3A, %eq3A_759 : vector<1x128xi32>
      %convert_element_type3A_761 = arith.extui %eq3A_760 : vector<1x128xi1> to vector<1x128xi32>
      %convert_element_type3A_762 = arith.sitofp %convert_element_type3A_761 : vector<1x128xi32> to vector<1x128xf32>
      %mul3A_763 = vector.broadcast %convert_element_type3A_742 : f32 to vector<1x128xf32>
      %mul3A_764 = arith.mulf %mul3A_763, %convert_element_type3A_762 : vector<1x128xf32>
      %add3A_765 = arith.addf %add3A_757, %mul3A_764 : vector<1x128xf32>
      %add3A_766 = arith.constant 8 : i32
      %add3A_767 = arith.addi %scan3A_166, %add3A_766 : i32
      %lt3A = arith.constant 48 : i32
      %lt3A_768 = arith.cmpi slt, %add3A_767, %lt3A : i32
      %convert_element_type3A_769 = arith.extui %lt3A_768 : i1 to i32
      %cond3A = arith.constant 0 : i32
      %cond3A_770 = arith.cmpi ne, %convert_element_type3A_769, %cond3A : i32
      scf.if %cond3A_770 {
        %add3A_771 = arith.constant 8 : i32
        %add3A_772 = arith.addi %scan3A_166, %add3A_771 : i32
        %get3A_773 = arith.index_cast %add3A_772 : i32 to index
        %get3A_774 = memref.load %arg1[%get3A_773] : memref<48xi32, #tpu.memory_space<smem>>
        %get3A_775 = arith.index_cast %add3A_772 : i32 to index
        %get3A_776 = memref.load %arg2[%get3A_775] : memref<48xi32, #tpu.memory_space<smem>>
        %get3A_777 = arith.index_cast %add3A_772 : i32 to index
        %get3A_778 = memref.load %arg3[%get3A_777] : memref<48xi32, #tpu.memory_space<smem>>
        %dma_start3A_779 = tpu.memref_slice %arg11[%rem3A_168] : memref<8x!tpu.dma_semaphore, #tpu.memory_space<semaphore_mem>> -> memref<1x!tpu.dma_semaphore, #tpu.memory_space<semaphore_mem>>
        %dma_start3A_780 = tpu.memref_squeeze %dma_start3A_779 : memref<1x!tpu.dma_semaphore, #tpu.memory_space<semaphore_mem>> -> memref<!tpu.dma_semaphore, #tpu.memory_space<semaphore_mem>>
        %dma_start3A_781 = arith.constant 0 : i32
        %dma_start3A_782 = arith.constant 0 : i32
        %dma_start3A_783 = arith.constant 0 : i32
        %dma_start3A_784 = arith.constant 0 : i32
        %dma_start3A_785 = tpu.memref_slice %arg10[%rem3A_168, %dma_start3A_781, %dma_start3A_782, %dma_start3A_783, %dma_start3A_784] : memref<8x3x3x64x64xf32, #tpu.memory_space<vmem>> -> memref<1x3x3x64x64xf32, #tpu.memory_space<vmem>>
        %dma_start3A_786 = tpu.memref_squeeze %dma_start3A_785 : memref<1x3x3x64x64xf32, #tpu.memory_space<vmem>> -> memref<3x3x64x64xf32, #tpu.memory_space<vmem>>
        %dma_start3A_787 = arith.constant 0 : i32
        %dma_start3A_788 = arith.constant 0 : i32
        %dma_start3A_789 = tpu.memref_slice %arg7[%get3A_774, %get3A_776, %get3A_778, %dma_start3A_787, %dma_start3A_788] : memref<4x40x40x64x64xf32, #tpu.memory_space<any>> -> memref<1x3x3x64x64xf32, #tpu.memory_space<any>>
        %dma_start3A_790 = tpu.memref_squeeze %dma_start3A_789 : memref<1x3x3x64x64xf32, #tpu.memory_space<any>> -> memref<3x3x64x64xf32, #tpu.memory_space<any>>
        tpu.enqueue_dma source(%dma_start3A_790 : memref<3x3x64x64xf32, #tpu.memory_space<any>>) target(%dma_start3A_786 : memref<3x3x64x64xf32, #tpu.memory_space<vmem>>) target_semaphore(%dma_start3A_780 : memref<!tpu.dma_semaphore, #tpu.memory_space<semaphore_mem>>)
      } else {
      }
      scf.yield %add3A_765 : vector<1x128xf32>
    }
    %scan3A_163 = arith.constant 48 : i32
    %swap3A = arith.constant 0 : index
    %swap3A_164 = arith.constant 0 : index
    %swap3A_165 = vector.load %arg9[%swap3A, %swap3A_164] : memref<1x128xf32, #tpu.memory_space<vmem>>, vector<1x128xf32>
    tpu.vector_store %arg9[%swap3A, %swap3A_164], %scan3A_162 {strides = array<i32>} : memref<1x128xf32, #tpu.memory_space<vmem>>, vector<1x128xf32>,
    return
  }
  func.func @transform_1(%arg0: i32, %arg1: memref<48xi32, #tpu.memory_space<smem>>, %arg2: memref<48xi32, #tpu.memory_space<smem>>, %arg3: memref<48xi32, #tpu.memory_space<smem>>, %arg4: memref<432xi32, #tpu.memory_space<smem>>, %arg5: memref<432xi32, #tpu.memory_space<smem>>, %arg6: memref<432xi32, #tpu.memory_space<smem>>) -> (i32, i32, i32) {
    %c0_i32 = arith.constant 0 : i32
    %c0_i32_0 = arith.constant 0 : i32
    %c0_i32_1 = arith.constant 0 : i32
    %c0_i32_2 = arith.constant 0 : i32
    return %c0_i32, %c0_i32_0, %c0_i32_1 : i32, i32, i32
  }
  func.func @transform_2(%arg0: i32, %arg1: memref<48xi32, #tpu.memory_space<smem>>, %arg2: memref<48xi32, #tpu.memory_space<smem>>, %arg3: memref<48xi32, #tpu.memory_space<smem>>, %arg4: memref<432xi32, #tpu.memory_space<smem>>, %arg5: memref<432xi32, #tpu.memory_space<smem>>, %arg6: memref<432xi32, #tpu.memory_space<smem>>) -> (i32, i32) {
    %c0_i32 = arith.constant 0 : i32
    %c0_i32_0 = arith.constant 0 : i32
    %c0_i32_1 = arith.constant 0 : i32
    return %c0_i32, %c0_i32_0 : i32, i32
  }
}

module attributes {stable_mosaic.version = 14 : i64} {
  func.func @_finish_body(%arg0: memref<1x128xf32, #tpu.memory_space<vmem>>, %arg1: memref<1x128xf32, #tpu.memory_space<vmem>>, %arg2: memref<1024x128xf32, #tpu.memory_space<vmem>>, %arg3: memref<1024x128xf32, #tpu.memory_space<vmem>>, %arg4: memref<1024x1xf32, #tpu.memory_space<vmem>>, %arg5: memref<1x128xf32, #tpu.memory_space<vmem>>, %arg6: memref<1x128xf32, #tpu.memory_space<vmem>>) attributes {dimension_semantics = [], scalar_prefetch = 0 : i64, scratch_operands = 0 : i64, tpu.core_type = #tpu.core_type<tc>} {
    %get3A = arith.constant 0 : index
    %get3A_0 = arith.constant 0 : index
    %get3A_1 = vector.load %arg0[%get3A, %get3A_0] : memref<1x128xf32, #tpu.memory_space<vmem>>, vector<1x1xf32>
    %get3A_2 = vector.extract %get3A_1[0, 0] : f32 from vector<1x1xf32>
    %get3A_3 = arith.constant 0 : index
    %get3A_4 = arith.constant 0 : index
    %get3A_5 = vector.load %arg1[%get3A_3, %get3A_4] : memref<1x128xf32, #tpu.memory_space<vmem>>, vector<1x1xf32>
    %get3A_6 = vector.extract %get3A_5[0, 0] : f32 from vector<1x1xf32>
    %add3A = arith.addf %get3A_2, %get3A_6 : f32
    %get3A_7 = arith.constant 0 : index
    %get3A_8 = arith.constant 1 : index
    %get3A_9 = vector.load %arg0[%get3A_7, %get3A_8] : memref<1x128xf32, #tpu.memory_space<vmem>>, vector<1x1xf32>
    %get3A_10 = vector.extract %get3A_9[0, 0] : f32 from vector<1x1xf32>
    %get3A_11 = arith.constant 0 : index
    %get3A_12 = arith.constant 1 : index
    %get3A_13 = vector.load %arg1[%get3A_11, %get3A_12] : memref<1x128xf32, #tpu.memory_space<vmem>>, vector<1x1xf32>
    %get3A_14 = vector.extract %get3A_13[0, 0] : f32 from vector<1x1xf32>
    %add3A_15 = arith.addf %get3A_10, %get3A_14 : f32
    %iota3A = tpu.iota {dimensions = array<i32: 0>} : vector<1024x1xi32>
    %jit3A = arith.constant 32 : i32
    %eq3A = arith.constant 0 : i32
    %eq3A_16 = arith.cmpi eq, %jit3A, %eq3A : i32
    %jit3A_17 = arith.constant 1 : i32
    %select_n3A = arith.select %eq3A_16, %jit3A_17, %jit3A : i32
    %rem3A = vector.broadcast %select_n3A : i32 to vector<1024x1xi32>
    %rem3A_18 = arith.remsi %iota3A, %rem3A : vector<1024x1xi32>
    %ne3A = arith.constant 0 : i32
    %ne3A_19 = vector.broadcast %ne3A : i32 to vector<1024x1xi32>
    %ne3A_20 = arith.cmpi ne, %rem3A_18, %ne3A_19 : vector<1024x1xi32>
    %lt3A = arith.constant 0 : i32
    %lt3A_21 = vector.broadcast %lt3A : i32 to vector<1024x1xi32>
    %lt3A_22 = arith.cmpi slt, %rem3A_18, %lt3A_21 : vector<1024x1xi32>
    %lt3A_23 = arith.constant 0 : i32
    %lt3A_24 = arith.cmpi slt, %select_n3A, %lt3A_23 : i32
    %ne3A_25 = vector.broadcast %lt3A_24 : i1 to vector<1024x1xi1>
    %ne3A_26 = vector.broadcast %ne3A_25 : vector<1024x1xi1> to vector<1024x1xi1>
    %ne3A_27 = arith.xori %lt3A_22, %ne3A_26 : vector<1024x1xi1>
    %and3A = arith.andi %ne3A_27, %ne3A_20 : vector<1024x1xi1>
    %add3A_28 = vector.broadcast %select_n3A : i32 to vector<1024x1xi32>
    %add3A_29 = arith.addi %rem3A_18, %add3A_28 : vector<1024x1xi32>
    %select_n3A_30 = arith.select %and3A, %add3A_29, %rem3A_18 : vector<1024x1xi1>, vector<1024x1xi32>
    %lt3A_31 = arith.constant 27 : i32
    %lt3A_32 = vector.broadcast %lt3A_31 : i32 to vector<1024x1xi32>
    %lt3A_33 = arith.cmpi slt, %select_n3A_30, %lt3A_32 : vector<1024x1xi32>
    %get3A_34 = arith.constant 0 : index
    %get3A_35 = arith.constant 0 : index
    %get3A_36 = vector.load %arg4[%get3A_34, %get3A_35] : memref<1024x1xf32, #tpu.memory_space<vmem>>, vector<1024x1xf32>
    %get3A_37 = arith.constant 0 : index
    %get3A_38 = arith.constant 0 : index
    %get3A_39 = vector.load %arg2[%get3A_37, %get3A_38] : memref<1024x128xf32, #tpu.memory_space<vmem>>, vector<1024x128xf32>
    %get3A_40 = arith.constant 0 : index
    %get3A_41 = arith.constant 0 : index
    %get3A_42 = vector.load %arg3[%get3A_40, %get3A_41] : memref<1024x128xf32, #tpu.memory_space<vmem>>, vector<1024x128xf32>
    %mul3A = arith.mulf %get3A_39, %get3A_42 : vector<1024x128xf32>
    %reduce_sum3A = arith.constant dense<0.000000e+00> : vector<1024xf32>
    %reduce_sum3A_43 = vector.multi_reduction <add>, %mul3A, %reduce_sum3A [1] : vector<1024x128xf32> to vector<1024xf32>
    %broadcast_in_dim3A = vector.shape_cast %reduce_sum3A_43 : vector<1024xf32> to vector<1024x1xf32>
    %logistic3A = arith.negf %broadcast_in_dim3A : vector<1024x1xf32>
    %logistic3A_44 = math.exp %logistic3A : vector<1024x1xf32>
    %logistic3A_45 = arith.constant 1.000000e+00 : f32
    %logistic3A_46 = vector.broadcast %logistic3A_45 : f32 to vector<1024x1xf32>
    %logistic3A_47 = arith.addf %logistic3A_46, %logistic3A_44 : vector<1024x1xf32>
    %logistic3A_48 = arith.divf %logistic3A_46, %logistic3A_47 : vector<1024x1xf32>
    %jit3A_49 = arith.constant 9.99999997E-7 : f32
    %jit3A_50 = arith.constant 0.999998986 : f32
    %max3A = vector.broadcast %jit3A_49 : f32 to vector<1024x1xf32>
    %max3A_51 = arith.maximumf %max3A, %logistic3A_48 : vector<1024x1xf32>
    %min3A = vector.broadcast %jit3A_50 : f32 to vector<1024x1xf32>
    %min3A_52 = arith.minimumf %min3A, %max3A_51 : vector<1024x1xf32>
    %sub3A = arith.constant 1.000000e+00 : f32
    %sub3A_53 = vector.broadcast %sub3A : f32 to vector<1024x1xf32>
    %sub3A_54 = arith.subf %sub3A_53, %min3A_52 : vector<1024x1xf32>
    %mul3A_55 = arith.constant 2.500000e-01 : f32
    %mul3A_56 = vector.broadcast %mul3A_55 : f32 to vector<1024x1xf32>
    %mul3A_57 = arith.mulf %mul3A_56, %sub3A_54 : vector<1024x1xf32>
    %sub3A_58 = arith.constant 1.000000e+00 : f32
    %sub3A_59 = vector.broadcast %sub3A_58 : f32 to vector<1024x1xf32>
    %sub3A_60 = arith.subf %sub3A_59, %min3A_52 : vector<1024x1xf32>
    %mul3A_61 = arith.mulf %mul3A_57, %sub3A_60 : vector<1024x1xf32>
    %log3A = math.log %min3A_52 : vector<1024x1xf32>
    %neg3A = arith.constant 0.000000e+00 : f32
    %neg3A_62 = vector.broadcast %neg3A : f32 to vector<1024x1xf32>
    %neg3A_63 = arith.subf %neg3A_62, %log3A : vector<1024x1xf32>
    %mul3A_64 = arith.mulf %mul3A_61, %neg3A_63 : vector<1024x1xf32>
    %mul3A_65 = arith.constant 7.500000e-01 : f32
    %mul3A_66 = vector.broadcast %mul3A_65 : f32 to vector<1024x1xf32>
    %mul3A_67 = arith.mulf %mul3A_66, %min3A_52 : vector<1024x1xf32>
    %mul3A_68 = arith.mulf %mul3A_67, %min3A_52 : vector<1024x1xf32>
    %sub3A_69 = arith.constant 1.000000e+00 : f32
    %sub3A_70 = vector.broadcast %sub3A_69 : f32 to vector<1024x1xf32>
    %sub3A_71 = arith.subf %sub3A_70, %min3A_52 : vector<1024x1xf32>
    %log3A_72 = math.log %sub3A_71 : vector<1024x1xf32>
    %neg3A_73 = arith.constant 0.000000e+00 : f32
    %neg3A_74 = vector.broadcast %neg3A_73 : f32 to vector<1024x1xf32>
    %neg3A_75 = arith.subf %neg3A_74, %log3A_72 : vector<1024x1xf32>
    %mul3A_76 = arith.mulf %mul3A_68, %neg3A_75 : vector<1024x1xf32>
    %sub3A_77 = arith.subf %mul3A_64, %mul3A_76 : vector<1024x1xf32>
    %mul3A_78 = arith.mulf %get3A_36, %sub3A_77 : vector<1024x1xf32>
    %jit3A_79 = arith.constant 0.000000e+00 : f32
    %broadcast_in_dim3A_80 = vector.broadcast %jit3A_79 : f32 to vector<1024x1xf32>
    %select_n3A_81 = arith.select %lt3A_33, %mul3A_78, %broadcast_in_dim3A_80 : vector<1024x1xi1>, vector<1024x1xf32>
    %reduce_sum3A_82 = vector.shape_cast %select_n3A_81 : vector<1024x1xf32> to vector<1x1024x1xf32>
    %reduce_sum3A_83 = arith.constant dense<0.000000e+00> : vector<1xf32>
    %reduce_sum3A_84 = vector.multi_reduction <add>, %reduce_sum3A_82, %reduce_sum3A_83 [1, 2] : vector<1x1024x1xf32> to vector<1xf32>
    %reduce_sum3A_85 = vector.shape_cast %reduce_sum3A_84 : vector<1xf32> to vector<1x1x1xf32>
    %reduce_sum3A_86 = vector.extract %reduce_sum3A_85[0, 0, 0] : f32 from vector<1x1x1xf32>
    %get3A_87 = arith.constant 0 : index
    %get3A_88 = arith.constant 0 : index
    %get3A_89 = vector.load %arg5[%get3A_87, %get3A_88] : memref<1x128xf32, #tpu.memory_space<vmem>>, vector<1x1xf32>
    %get3A_90 = vector.extract %get3A_89[0, 0] : f32 from vector<1x1xf32>
    %add3A_91 = arith.addf %get3A_90, %reduce_sum3A_86 : f32
    %add3A_92 = arith.constant 1.000000e+00 : f32
    %add3A_93 = arith.addf %add3A_15, %add3A_92 : f32
    %div3A = arith.divf %add3A_91, %add3A_93 : f32
    %div3A_94 = arith.divf %add3A, %add3A_15 : f32
    %mul3A_95 = arith.constant 3.000000e+00 : f32
    %mul3A_96 = arith.mulf %div3A_94, %mul3A_95 : f32
    %add3A_97 = arith.addf %div3A, %mul3A_96 : f32
    %iota3A_98 = tpu.iota {dimensions = array<i32: 1>} : vector<1x128xi32>
    %eq3A_99 = arith.constant 0 : i32
    %eq3A_100 = vector.broadcast %eq3A_99 : i32 to vector<1x128xi32>
    %eq3A_101 = arith.cmpi eq, %iota3A_98, %eq3A_100 : vector<1x128xi32>
    %convert_element_type3A = arith.extui %eq3A_101 : vector<1x128xi1> to vector<1x128xi32>
    %convert_element_type3A_102 = arith.sitofp %convert_element_type3A : vector<1x128xi32> to vector<1x128xf32>
    %mul3A_103 = vector.broadcast %add3A_97 : f32 to vector<1x128xf32>
    %mul3A_104 = arith.mulf %mul3A_103, %convert_element_type3A_102 : vector<1x128xf32>
    %eq3A_105 = arith.constant 1 : i32
    %eq3A_106 = vector.broadcast %eq3A_105 : i32 to vector<1x128xi32>
    %eq3A_107 = arith.cmpi eq, %iota3A_98, %eq3A_106 : vector<1x128xi32>
    %convert_element_type3A_108 = arith.extui %eq3A_107 : vector<1x128xi1> to vector<1x128xi32>
    %convert_element_type3A_109 = arith.sitofp %convert_element_type3A_108 : vector<1x128xi32> to vector<1x128xf32>
    %mul3A_110 = vector.broadcast %div3A : f32 to vector<1x128xf32>
    %mul3A_111 = arith.mulf %mul3A_110, %convert_element_type3A_109 : vector<1x128xf32>
    %add3A_112 = arith.addf %mul3A_104, %mul3A_111 : vector<1x128xf32>
    %eq3A_113 = arith.constant 2 : i32
    %eq3A_114 = vector.broadcast %eq3A_113 : i32 to vector<1x128xi32>
    %eq3A_115 = arith.cmpi eq, %iota3A_98, %eq3A_114 : vector<1x128xi32>
    %convert_element_type3A_116 = arith.extui %eq3A_115 : vector<1x128xi1> to vector<1x128xi32>
    %convert_element_type3A_117 = arith.sitofp %convert_element_type3A_116 : vector<1x128xi32> to vector<1x128xf32>
    %mul3A_118 = vector.broadcast %mul3A_96 : f32 to vector<1x128xf32>
    %mul3A_119 = arith.mulf %mul3A_118, %convert_element_type3A_117 : vector<1x128xf32>
    %add3A_120 = arith.addf %add3A_112, %mul3A_119 : vector<1x128xf32>
    %swap3A = arith.constant 0 : index
    %swap3A_121 = arith.constant 0 : index
    %swap3A_122 = vector.load %arg6[%swap3A, %swap3A_121] : memref<1x128xf32, #tpu.memory_space<vmem>>, vector<1x128xf32>
    tpu.vector_store %arg6[%swap3A, %swap3A_121], %add3A_120 {strides = array<i32>} : memref<1x128xf32, #tpu.memory_space<vmem>>, vector<1x128xf32>,
    return
  }
}

</mosaic_0001>

<sc_bundles>
// kernel: kernel.7.cloned.1.call-start
scs
__scs_entry_jumppad:
0x0: {  	(pc) =	sbr.rel $0x88, $3  }
0x1: {  	(tag) =	ssettag $0x0;
	lr =	simm.s32 $0x1  }
0x2: {  	[smem:$0x3F9B] =	sst lr;
	_ =	strace $0xD0000000  }
0x3: {  	_ = 	snop  }
0x4: {  	_ = 	snop  }
0x5: {  	_ = 	snop  }
0x6: {  	_ = 	snop  }
0x7: {  	_ = 	snop  }
__scs_overlays_trampoline_lowered:
0x8: {  	[smem:$0x3FAA] =	sst s0  }
0x9: {  	[smem:$0x3FAB] =	sst s1  }
0xa: {  	[smem:$0x3FAC] =	sst s2  }
0xb: {  	[smem:$0x3FAD] =	sst s3  }
0xc: {  	[smem:$0x3FAE] =	sst s4  }
0xd: {  	[smem:$0x3FAF] =	sst s5  }
0xe: {  	[smem:$0x3FB0] =	sst s6  }
0xf: {  	[smem:$0x3FB1] =	sst s7  }
0x10: {  	[smem:$0x3FB2] =	sst s8  }
0x11: {  	[smem:$0x3FB3] =	sst s9;
	s0 =	simm.s32 @!p0 $0x0  }
0x12: {  	s1 =	sld [smem:$0x3F99];
	s0 =	simm.s32 @p0 $0x1  }
0x13: {  	[smem:$0x3FB4] =	sst s0;
	s0 =	simm.s32 @!p1 $0x0  }
0x14: {  	s2 =	sld [smem:$0x3F98];
	s0 =	simm.s32 @p1 $0x1  }
0x15: {  	[smem:$0x3FB5] =	sst s0;
	s0 =	simm.s32 @!p2 $0x0  }
0x16: {  	s3 =	sld [smem:$0x3FDB];
	s0 =	simm.s32 @p2 $0x1  }
0x17: {  	s4 =	simm.s32 $0x1BF5;
	[smem:$0x3FB7] =	sst s0  }
0x18: {  	s0 =	sld [smem:$0x3F9A];
	_ =	swait.ge [sflag:s4], $0x0  }
0x19: {  	s7 =	sld [smem:$0x3F9B]  }
0x1a: {  	s8 =	sadd.s32 $0xFFFFE003, lr  }
0x1b: {  	s9 =	sadd.s32 $0xFFFFFEF7, lr;
	s5 =	simm.s32 $0xFFFFFFFF;
	p2 =	slt.u32 s8, $0xFFFFF086  }
0x1c: {  	p1 =	slt.u32 s9, $0xF7A;
	s5 =	simm.s32 @!p2 $0x0  }
0x1d: {  	s5 =	simm.s32 @p1 $0x1;
	p0 =	seq.s32 s7, s2  }
0x1e: {  	s7 =	smul.u32 @!p0 $0xF7A, s2;
	p2 =	seq.s32 @!p0 s5, $0x0  }
0x1f: {  	s9 =	smul.u32 $0xF7A, s1;
	s8 =	simm.s32 @!p0 $0x1BF5;
	p2 =	por !p2, p0  }
0x20: {  	[sflag:s8] =	ssyncset.s32 @!p0 $0xFFFFF086;
	s6 =	sadd.s32 @!p0 s3, s7;
	s7 =	simm.s32 @!p0 $0x108  }
0x21: {  	s3 =	sadd.s32 s3, s9;
	s6 =	sadd.s32 @!p0 $0x88, s6;
	s7 =	simm.s32 @p2 $0x1082  }
0x22: {  	[simem:s7], [sflag:s8] =	dma.local @!p0 [hbm:s6], $0xF7A  }
0x23: {  	s9 =	sor.u32 $0xD0000000, s2;
	s6 =	simm.s32 $0x108;
	_ =	swait.ge @!p0 [sflag:s8], $0x0  }
0x24: {  	s3 =	sadd.s32 $0x88, s3;
	s6 =	simm.s32 @!p1 $0x1082;
	[sflag:s4] =	ssyncset.s32 $0xFFFFF086  }
0x25: {  	[simem:s6], [sflag:s4] =	dma.local [hbm:s3], $0xF7A  }
0x26: {  	[smem:$0x3F9B] =	sst s1;
	(tag) =	ssettag s2;
	_ =	strace s9  }
0x27: {  	s1 =	sld [smem:$0x3FAB]  }
0x28: {  	s2 =	sld [smem:$0x3FAC]  }
0x29: {  	s4 =	sld [smem:$0x3FAE]  }
0x2a: {  	p0 =	seq.s32 s5, $0x0;
	s5 =	sld [smem:$0x3FAF]  }
0x2b: {  	s6 =	sld [smem:$0x3FB0]  }
0x2c: {  	s7 =	sld [smem:$0x3FB1]  }
0x2d: {  	s3 =	simm.s32 $0x108;
	s8 =	sld [smem:$0x3FB2]  }
0x2e: {  	s3 =	simm.s32 @!p0 $0x1082;
	s9 =	sld [smem:$0x3FB3]  }
0x2f: {  	lr =	sadd.s32 s0, s3;
	s0 =	sld [smem:$0x3FAA]  }
0x30: {  	s3 =	sld [smem:$0x3FAD]  }
0x31: {  	[smem:$0x3FB6] =	sst s10  }
0x32: {  	s10 =	sld [smem:$0x3FB4];
	_ =	sdelay $0x3  }
0x33: {  	p0 =	seq.s32 s10, $0x1;
	s10 =	sld [smem:$0x3FB6];
	_ =	sdelay $0x3  }
0x34: {  	[smem:$0x3FB6] =	sst s10  }
0x35: {  	s10 =	sld [smem:$0x3FB5];
	_ =	sdelay $0x3  }
0x36: {  	p1 =	seq.s32 s10, $0x1;
	s10 =	sld [smem:$0x3FB6];
	_ =	sdelay $0x3  }
0x37: {  	[smem:$0x3FB6] =	sst s10  }
0x38: {  	s10 =	sld [smem:$0x3FB7]  }
0x39: {  	_ = 	snop;
	(pc) =	sbr.ind lr, $3  }
0x3a: {  	_ = 	snop  }
0x3b: {  	_ = 	snop  }
0x3c: {  	p2 =	seq.s32 s10, $0x1;
	s10 =	sld [smem:$0x3FB6]  }
0x3d: {  	_ =	shalt  }
0x3e: {  	_ =	shalt  }
0x3f: {  	_ =	shalt  }
0x40: {  	_ =	shalt  }
0x41: {  	_ =	shalt  }
0x42: {  	_ =	shalt  }
0x43: {  	_ =	shalt  }
0x44: {  	_ =	shalt  }
0x45: {  	_ =	shalt  }
0x46: {  	_ =	shalt  }
0x47: {  	_ =	shalt  }
0x48: {  	_ =	shalt  }
0x49: {  	_ =	shalt  }
0x4a: {  	_ =	shalt  }
0x4b: {  	_ =	shalt  }
0x4c: {  	_ =	shalt  }
0x4d: {  	_ =	shalt  }
0x4e: {  	_ =	shalt  }
0x4f: {  	_ =	shalt  }
0x50: {  	_ =	shalt  }
0x51: {  	_ =	shalt  }
0x52: {  	_ =	shalt  }
0x53: {  	_ =	shalt  }
0x54: {  	_ =	shalt  }
0x55: {  	_ =	shalt  }
0x56: {  	_ =	shalt  }
0x57: {  	_ =	shalt  }
0x58: {  	_ =	shalt  }
0x59: {  	_ =	shalt  }
0x5a: {  	_ =	shalt  }
0x5b: {  	_ =	shalt  }
0x5c: {  	_ =	shalt  }
0x5d: {  	_ =	shalt  }
0x5e: {  	_ =	shalt  }
0x5f: {  	_ =	shalt  }
0x60: {  	_ =	shalt  }
0x61: {  	_ =	shalt  }
0x62: {  	_ =	shalt  }
0x63: {  	_ =	shalt  }
0x64: {  	_ =	shalt  }
0x65: {  	_ =	shalt  }
0x66: {  	_ =	shalt  }
0x67: {  	_ =	shalt  }
0x68: {  	_ =	shalt  }
0x69: {  	_ =	shalt  }
0x6a: {  	_ =	shalt  }
0x6b: {  	_ =	shalt  }
0x6c: {  	_ =	shalt  }
0x6d: {  	_ =	shalt  }
0x6e: {  	_ =	shalt  }
0x6f: {  	_ =	shalt  }
0x70: {  	_ =	shalt  }
0x71: {  	_ =	shalt  }
0x72: {  	_ =	shalt  }
0x73: {  	_ =	shalt  }
0x74: {  	_ =	shalt  }
0x75: {  	_ =	shalt  }
0x76: {  	_ =	shalt  }
0x77: {  	_ =	shalt  }
0x78: {  	_ =	shalt  }
0x79: {  	_ =	shalt  }
0x7a: {  	_ =	shalt  }
0x7b: {  	_ =	shalt  }
0x7c: {  	_ =	shalt  }
0x7d: {  	_ =	shalt  }
0x7e: {  	_ =	shalt  }
0x7f: {  	_ =	shalt  }
0x80: {  	_ =	shalt  }
0x81: {  	_ =	shalt  }
0x82: {  	_ =	shalt  }
0x83: {  	_ =	shalt  }
0x84: {  	_ =	shalt  }
0x85: {  	_ =	shalt  }
0x86: {  	_ =	shalt  }
0x87: {  	_ =	shalt  }
.Lfunc_end0:
.L_simem_size_0:
called_computation_lowered:
.L_overlay_start_0:
0x88: {  	s2 =	sld [smem:$0x3FD9]  }
0x89: {  	s3 =	sld [smem:$0x3FFE];
	_ =	sdelay $0x1  }
0x8a: {  	s1 =	srdreg.scid  }
0x8b: {  	s0 =	sand.u32 $0x1, s1  }
0x8c: {  	s16 =	sshll.u32 s0, $0xA;
	s2 =	sadd.s32 s3, s2  }
0x8d: {  	s2 =	sadd.s32 s2, s16  }
0x8e: {  	[smem:$0x3FC2] =	sst s2  }
0x8f: {  	_ = 	snop  }
0x90: {  	(tm) =	ssettm $0x1  }
0x91: {  	s17 =	sld [smem:$0x3FFB];
	_ =	sdelay $0x3  }
0x92: {  	_ =	strace s17  }
0x93: {  	s2 =	sld [smem:$0x3FFC];
	_ =	sdelay $0x3  }
0x94: {  	_ =	strace s2  }
0x95: {  	s2 =	sld [smem:$0x3FFD];
	_ =	sdelay $0x3  }
0x96: {  	_ =	strace s2  }
0x97: {  	_ =	strace $0x8FFFFFFF  }
0x98: {  	s18 =	sld [smem:$0x3FDB];
	_ =	sdelay $0x1  }
0x99: {  	s19 =	simm.s32 $_scs_section_size  }
0x9a: {  	s4 =	simm.s32 $_size__tile_overlayer_lowered;
	s5 =	simm.s32 $_tile_overlayer_lowered  }
0x9b: {  	s22 =	simm.s32 $0x1BFF;
	s21 =	sshll.u32 s5, $0x1;
	s2 =	sadd.s32 s19, s18  }
0x9c: {  	s6 =	simm.s32 $0x0;
	s20 =	sshll.u32 s4, $0x1;
	s4 =	sadd.s32 s21, s2  }
0x9d: {  	[timem:s6], [sflag:s22] =	dma.local [hbm:s4], s20  }
0x9e: {  	_ =	swait.ge [sflag:s22], s20  }
0x9f: {  	s3 =	ssub.s32 $0x0, s20;
	[sflag:s22] =	ssyncset.done $0x0  }
0xa0: {  	[sflag:s22] =	ssyncadd.s32 s3;
	_ =	sdelay $0x1  }
0xa1: {  	s23 =	simm.s32 $0x1B8B  }
0xa2: {  	_ =	swait.ge [sflag:s23], $0x1  }
0xa3: {  	[sflag:s23] =	ssyncset.done $0x0  }
0xa4: {  	s25 =	simm.s32 $0x1B8E;
	s24 =	sld [smem:$0x3FFE];
	[sflag:s23] =	ssyncadd.s32 $0xFFFFFFFF  }
0xa5: {  	s26 =	simm.s32 $execute0_lowered;
	[smem:$0x3FD2] =	sst s25  }
0xa6: {  	s4 =	sshll.u32 s26, $0x1;
	_ =	strace $0x80000046;
	[dreg:$0x1] =	wrdreg $0xFFFFFFFF  }
0xa7: {  	s28 =	simm.s32 $_size_execute0_lowered;
	s2 =	sadd.s32 s2, s4;
	[dreg:$0x0] =	wrdreg $0x0  }
0xa8: {  	s4 =	sshll.u32 s28, $0x1;
	[dreg:$0x2] =	wrdreg s2  }
0xa9: {  	[dreg:$0x3] =	wrdreg s4  }
0xaa: {  	[dreg:$0x4] =	wrdreg $0xC0  }
0xab: {  	_ =	task [dreg:s6], $0x5FFFF  }
0xac: {  	[dreg:$0x1] =	wrdreg $0xFFFFFFFF  }
0xad: {  	[dreg:$0x0] =	wrdreg $0x60  }
0xae: {  	[dreg:$0x2] =	wrdreg s24  }
0xaf: {  	[dreg:$0x3] =	wrdreg $0x9  }
0xb0: {  	_ =	task.clear_ibuf [dreg:s6], $0x4FFFF;
	_ =	strace $0x90000046  }
0xb1: {  	s29 =	simm.s32 $0x9;
	_ =	strace $0x80000048  }
0xb2: {  	_ =	swait.ge [sflag:s29], $0x1  }
0xb3: {  	[sflag:s29] =	ssyncadd.s32 $0xFFFFFFFF  }
0xb4: {  	_ =	strace $0x90000048  }
0xb5: {  	_ =	sfence  }
0xb6: {  	s30 =	sld [smem:$0x0];
	_ =	sdelay $0x2  }
0xb7: {  	s31 =	sshll.u32 s1, $0xD;
	s1 =	sshrl.u32 s1, $0x2  }
0xb8: {  	s3 =	sand.u32 $0x4000, s31;
	s1 =	sadd.s32 s1, s30  }
0xb9: {  	s0 =	sor.u32 s3, s0;
	s1 =	sshll.u32 s1, $0x11  }
0xba: {  	s0 =	sor.u32 s1, s0  }
0xbb: {  	s0 =	sadd.s32 $0x8F2B, s0  }
0xbc: {  	[sflag:s0] =	ssyncadd.remote.s32 $0x1  }
0xbd: {  	_ =	sfence.sel $0xFFFF  }
0xbe: {  	[dreg:$0x0] =	wrdreg $0xFFFFFFFF;
	(pc) =	sbr.abs _section_cstart, $3  }
0xbf: {  	[dreg:$0x1] =	wrdreg $0xFFFFFFFF  }
0xc0: {  	_ =	task.clear_ibuf [dreg:s6], $0x2FFFF;
	_ =	strace $0x9FFFFFFF  }
0xc1: {  	(tm) =	ssettm $0x7FFFFFFF  }
tec
execute0_lowered:
.L_overlay_start_1:
0x0: {  	(tag) =	ssettag $0x1  }
0x1: {  	s5 =	rddreg [dreg:$0x0]  }
0x2: {  	s1 =	stileid.u32;
	s2 =	srdreg.scid  }
0x3: {  	s0 =	rddreg [dreg:$0x1];
	s7 =	simm.s32 $0x80;
	s8 =	simm.s32 $0x1  }
0x4: {  	s3 =	sshll.u32 s1, $0x4;
	s9 =	sand.u32 $0x1, s2;
	s2 =	simm.s32 $0x0  }
0x5: {  	s6 =	sshll.u32 s1, $0x9;
	s3 =	sadd.s32 s3, s5;
	s4 =	sshll.u32 s9, $0x8  }
0x6: {  	[smem:$0x7FF] =	sst s2;
	s10 =	sadd.s32 s6, s5;
	p0 =	seq.s32 s9, $0x1  }
0x7: {  	s6 =	simm.s32 $0x10000;
	s11 =	ssub.s32 $0x2, s9;
	s3 =	sadd.s32 s4, s3  }
0x8: {  	_ =	strace $0x80000047;
	s4 =	simm.s32 $0x2;
	s3 =	sadd.s32 $0x1CC00, s3  }
0x9: {  	[tilespmem:s2], [sflag:$0x2] =	stream.linear.gather [hbm4b:s3+s2], $0x80, $0x38;
	[tilespmem:$0x1080] =	vst v63  }
0xa: {  	s6 =	simm.s32 @!p0 $0x600;
	s12 =	sshrl.u32 s11, $0x1;
	_ =	swait.ge [sflag:s4], $0x80  }
0xb: {  	s5 =	sadd.s32 s6, s5;
	s11 =	ssub.s32 s11, s12;
	[sflag:s4] =	ssyncset.done $0x0  }
0xc: {  	s6 =	simm.s32 $0x20;
	s31 =	smax.u32 s11, $0x1;
	[sflag:s4] =	ssyncadd.s32 $0xFFFFFF80  }
0xd: {  	[tilespmem:s7], [sflag:$0x1] =	stream.indirect.gather [hbm4b:s5+s6], $0x80, s2, s6, $0xb8;
	[tilespmem:$0x1080] =	vst v63  }
0xe: {  	s9 =	sshll.u32 s9, $0xD;
	p0 =	sne.s32 s31, $0x1;
	_ =	swait.ge [sflag:s8], $0x1000  }
.Ltmp0:
0xf: {  	s9 =	sadd.s32 s9, s10;
	[sflag:s8] =	ssyncset.done $0x0;
	(pc) =	sbr.rel @!p0 .LBB2_2-.Ltmp0, $4  }
0x10: {  	s9 =	sadd.s32 $0x1CE00, s9;
	[sflag:s8] =	ssyncadd.s32 $0xFFFFF000  }
0x11: {  	[hbm4b:s9+s2] =	stream.linear.scatter [tilespmem:s7], [sflag:$0x2], $0x1000, $0x38;
	[tilespmem:$0x1080] =	vst v63  }
0x12: {  	_ =	swait.ge [sflag:s4], $0x1000  }
0x13: {  	s10 =	sadd.s32 $0xFFFFFFFF, s31;
	[sflag:s4] =	ssyncset.done $0x0  }
.LBB2_1:
0x14: {  	p0 =	sne.s32 s10, $0x1;
	s10 =	sadd.s32 $0xFFFFFFFF, s10;
	[sflag:s4] =	ssyncadd.s32 $0xFFFFF000  }
0x15: {  	[tilespmem:s2], [sflag:$0x2] =	stream.linear.gather [hbm4b:s3+s2], $0x80, $0x38;
	[tilespmem:$0x1080] =	vst v63  }
0x16: {  	_ =	swait.ge [sflag:s4], $0x80  }
0x17: {  	[sflag:s4] =	ssyncset.done $0x0  }
0x18: {  	[sflag:s4] =	ssyncadd.s32 $0xFFFFFF80  }
0x19: {  	[tilespmem:s7], [sflag:$0x1] =	stream.indirect.gather [hbm4b:s5+s6], $0x80, s2, s6, $0xb8;
	[tilespmem:$0x1080] =	vst v63  }
0x1a: {  	_ =	swait.ge [sflag:s8], $0x1000  }
.Ltmp1:
0x1b: {  	[sflag:s8] =	ssyncset.done $0x0;
	(pc) =	sbr.rel @p0 .LBB2_1-.Ltmp1, $4  }
0x1c: {  	[sflag:s8] =	ssyncadd.s32 $0xFFFFF000  }
0x1d: {  	[hbm4b:s9+s2] =	stream.linear.scatter [tilespmem:s7], [sflag:$0x2], $0x1000, $0x38;
	[tilespmem:$0x1080] =	vst v63  }
0x1e: {  	_ =	swait.ge [sflag:s4], $0x1000  }
0x1f: {  	[sflag:s4] =	ssyncset.done $0x0  }
.LBB2_2:
0x20: {  	[sflag:s4] =	ssyncadd.s32 $0xFFFFF000  }
0x21: {  	_ =	sfence.sel $0x180000  }
0x22: {  	[bflag:$0x0] =	sbarrier.arrive $0xFFFF  }
0x23: {  	p0 =	sne.s32 s1, $0x0;
	_ =	strace $0x90000047  }
0x24: {  	s0 =	sadd.s32 @!p0 $0x100000, s0;
	[bflag:$0x2] =	sbarrier.arrive $0xFFFF  }
0x25: {  	[sflag:s0] =	ssyncadd.tile.s32 @!p0 $0x1;
	_ =	shalt  }
.Lfunc_end2:
_tile_overlayer_lowered:
.L_overlay_start_2:
0x26: {  	(tag) =	ssettag $0x2  }
0x27: {  	s0 =	rddreg [dreg:$0x0];
	s2 =	stileid.u32  }
0x28: {  	s1 =	rddreg [dreg:$0x1];
	p0 =	sne.s32 s2, $0x0  }
0x29: {  	s3 =	rddreg [dreg:$0x2];
	[bflag:$0x3] =	sbarrier.arrive $0xFFFF;
	s2 =	simm.s32 @!p0 $0x1C02  }
0x2a: {  	[timem:s3], [sflag:s2] =	dma.local @!p0 [hbm:s0], s1  }
0x2b: {  	s0 =	simm.s32 @!p0 $0x2  }
0x2c: {  	_ =	swait.ge @!p0 [sflag:s0], s1  }
0x2d: {  	s1 =	ssub.s32 @!p0 $0x0, s1;
	[sflag:s0] =	ssyncset.done @!p0 $0x0  }
0x2e: {  	[sflag:s0] =	ssyncadd.s32 @!p0 s1  }
0x2f: {  	[bflag:$0x3] =	sbarrier.arrive $0xFFFF  }
0x30: {  	_ =	shalt  }

</sc_bundles>
